<compile_context>
chip_gen: v7x
topology: tpu7x:2x2x1
jax: 0.10.2.dev20260603
libtpu: 0.0.44.dev20260713+nightly
codegen_flags: <defaults>
</compile_context>

<pallas_src>
import functools

import jax
import jax.numpy as jnp
from jax import lax
from jax.experimental import pallas as pl
from jax.experimental.pallas import tpu as pltpu
from jax.experimental.pallas import tpu_sc as plsc

D = 128
CHUNK = 128
NC = 2
NS = 16
NW = NC * NS
K = 2
QI = 4


def _agg_sc(node, adj_e, n_pad, tch, n0, n1):
    rpt = n_pad // NS
    nzc = rpt // CHUNK

    mesh = plsc.VectorSubcoreMesh(core_axis_name="c", subcore_axis_name="s")

    @functools.partial(
        pl.kernel,
        mesh=mesh,
        out_type=jax.ShapeDtypeStruct((NC * n_pad, D), jnp.float32),
        scratch_types=[
            [pltpu.VMEM((QI, CHUNK), jnp.int32)] * 2,
            [pltpu.VMEM((CHUNK, D), jnp.float32)] * K,
            pltpu.VMEM_SHARED((n_pad, D), jnp.float32),
            [pltpu.SemaphoreType.DMA] * QI,
            [pltpu.SemaphoreType.DMA] * QI,
            [pltpu.SemaphoreType.DMA] * K,
        ],
    )
    def agg(node_hbm, adj_hbm, out_hbm, sd_v, rows_v, acc,
            isems, dsems, gsems):
        c = lax.axis_index("c")
        s = lax.axis_index("s")
        sidx, didx = sd_v
        ncw = jnp.where(c == 0, n0, n1)
        o_w = jnp.where(c == 0, 0, NS * n0) + s * ncw
        my_cpw = jnp.maximum(0, jnp.minimum(ncw, tch - o_w))

        zero16 = jnp.zeros((16,), jnp.float32)

        def zbody(k, carry):
            i = k // (D // 16)
            j = k % (D // 16)
            rows_v[0][i, pl.ds(j * 16, 16)] = zero16
            return carry

        lax.fori_loop(0, CHUNK * (D // 16), zbody, 0)
        for k in range(nzc):
            pltpu.sync_copy(rows_v[0], acc.at[pl.ds(s * rpt + k * CHUNK, CHUNK)])
        plsc.subcore_barrier()

        def fire_idx(j, q):
            e0 = (o_w + j) * CHUNK
            pltpu.async_copy(adj_hbm.at[0, pl.ds(e0, CHUNK)], sidx.at[q], isems[q])
            pltpu.async_copy(adj_hbm.at[1, pl.ds(e0, CHUNK)], didx.at[q], dsems[q])

        def wait_idx(sems, q):
            pltpu.make_async_copy(
                adj_hbm.at[0, pl.ds(0, CHUNK)], sidx.at[q], sems[q]).wait()

        def fire_gather(q, b):
            pltpu.async_copy(node_hbm.at[sidx.at[q]], rows_v[b], gsems[b])

        for q in range(QI):
            @pl.when(q < my_cpw)
            def _():
                fire_idx(q, q)
        for b in range(K):
            @pl.when(b < my_cpw)
            def _():
                wait_idx(isems, b)
                fire_gather(b, b)

        def body(t, carry):
            j0 = t * QI
            for u in range(QI):
                j = j0 + u
                b = u % K
                pltpu.make_async_copy(
                    node_hbm.at[sidx.at[u]], rows_v[b], gsems[b]).wait()
                wait_idx(dsems, u)
                pltpu.sync_copy(rows_v[b], acc.at[didx.at[u]], add=True)

                @pl.when(j + QI < my_cpw)
                def _():
                    fire_idx(j + QI, u)

                @pl.when(j + K < my_cpw)
                def _():
                    wait_idx(isems, (u + K) % QI)
                    fire_gather((u + K) % QI, b)
            return carry

        lax.fori_loop(0, my_cpw // QI, body, 0)
        plsc.subcore_barrier()

        for k in range(nzc):
            row = s * rpt + k * CHUNK
            pltpu.sync_copy(acc.at[pl.ds(row, CHUNK)],
                            out_hbm.at[pl.ds(c * n_pad + row, CHUNK)])

    return agg(node, adj_e)


def _mlp_body(scale_ref, x_ref, p0_ref, p1_ref,
              w1_ref, b1_ref, g1_ref, be1_ref,
              w2_ref, b2_ref, g2_ref, be2_ref,
              w3_ref, b3_ref, gn_ref, bn_ref, out_ref):
    def ln_relu(h, g, b):
        mu = jnp.mean(h, axis=1, keepdims=True)
        xc = h - mu
        var = jnp.mean(xc * xc, axis=1, keepdims=True)
        return jnp.maximum(xc * lax.rsqrt(var + 1e-5) * g + b, 0.0)

    dn = (((1,), (1,)), ((), ()))
    h = scale_ref[0, 0] * x_ref[...] + p0_ref[...] + p1_ref[...]
    h = lax.dot_general(h, w1_ref[...], dn, preferred_element_type=jnp.float32)
    h = ln_relu(h + b1_ref[...], g1_ref[...], be1_ref[...])
    h = lax.dot_general(h, w2_ref[...], dn, preferred_element_type=jnp.float32)
    h = ln_relu(h + b2_ref[...], g2_ref[...], be2_ref[...])
    h = lax.dot_general(h, w3_ref[...], dn, preferred_element_type=jnp.float32)
    out_ref[...] = ln_relu(h + b3_ref[...], gn_ref[...], bn_ref[...])


def kernel(node, adj, batch_ptr, eps, W1, b1, g1, be1, W2, b2, g2, be2,
           W3, b3, gn, bn):
    n, d = node.shape
    e = adj.shape[1]
    assert d == D

    tch = -(-e // CHUNK)
    assert tch % QI == 0
    n0 = QI * max(1, -(-tch // (2 * NS * QI)))
    n1 = n0

    adj_e = adj.astype(jnp.int32)
    if e % CHUNK:
        pad = tch * CHUNK - e
        adj_e = jnp.concatenate(
            [adj_e,
             jnp.stack([jnp.zeros((pad,), jnp.int32),
                        jnp.full((pad,), n, jnp.int32)])], axis=1)

    n_pad = -(-(n + 1) // (NS * CHUNK)) * NS * CHUNK
    parts = _agg_sc(node, adj_e, n_pad, tch, n0, n1)

    scale = (1.0 + eps).astype(jnp.float32).reshape(1, 1)

    br = 1024
    nb = -(-n // br)
    assert n_pad % br == 0
    po = n_pad // br
    full = lambda shp: pl.BlockSpec(shp, lambda i: (0, 0))
    row_blk = pl.BlockSpec((br, D), lambda i: (i, 0))
    p0_blk = pl.BlockSpec((br, D), lambda i: (i, 0))
    p1_blk = pl.BlockSpec((br, D), lambda i: (po + i, 0))
    vec = lambda: full((1, D))

    out = pl.pallas_call(
        _mlp_body,
        grid=(nb,),
        in_specs=[
            full((1, 1)),
            row_blk,
            p0_blk, p1_blk,
            full((D, D)), vec(), vec(), vec(),
            full((D, D)), vec(), vec(), vec(),
            full((D, D)), vec(), vec(), vec(),
        ],
        out_specs=row_blk,
        out_shape=jax.ShapeDtypeStruct((n, D), jnp.float32),
    )(
        scale, node, parts, parts,
        W1, b1.reshape(1, D), g1.reshape(1, D), be1.reshape(1, D),
        W2, b2.reshape(1, D), g2.reshape(1, D), be2.reshape(1, D),
        W3, b3.reshape(1, D), gn.reshape(1, D), bn.reshape(1, D),
    )
    return out

# --- scband reference (transcript-rebuilt; emitter-appended) ---
"""Pipeline reference for scband-gin-layer-sparse-72688026518106 (READ-ONLY COPY).

The authoritative reference and input builder live on the scoring server;
editing this copy changes nothing except your own understanding.
"""

import jax, jax.numpy as jnp
import numpy as np

N = 10000
E = 320000
D = 128

def _ln(x, w, b, eps=1e-5):
    mu = jnp.mean(x, axis=-1, keepdims=True)
    var = jnp.mean((x - mu) ** 2, axis=-1, keepdims=True)
    return (x - mu) / jnp.sqrt(var + eps) * w + b

def setup_inputs(seed: int = 0) -> dict:
    key = jax.random.key(seed)
    ks = jax.random.split(key, 16)
    node = jax.random.normal(ks[0], (N, D), dtype=jnp.float32)
    adj = jax.random.randint(ks[1], (2, E), 0, N, dtype=jnp.int64)
    batch_ptr = jnp.sort(jax.random.randint(ks[2], (N,), 0, 16, dtype=jnp.int64))
    s = 1.0 / np.sqrt(D)
    W1 = jax.random.uniform(ks[3], (D, D), jnp.float32, -s, s)
    b1 = jax.random.uniform(ks[4], (D,), jnp.float32, -s, s)
    g1 = jnp.ones((D,), jnp.float32); be1 = jnp.zeros((D,), jnp.float32)
    W2 = jax.random.uniform(ks[5], (D, D), jnp.float32, -s, s)
    b2 = jax.random.uniform(ks[6], (D,), jnp.float32, -s, s)
    g2 = jnp.ones((D,), jnp.float32); be2 = jnp.zeros((D,), jnp.float32)
    W3 = jax.random.uniform(ks[7], (D, D), jnp.float32, -s, s)
    b3 = jax.random.uniform(ks[8], (D,), jnp.float32, -s, s)
    gn = jnp.ones((D,), jnp.float32); bn = jnp.zeros((D,), jnp.float32)
    eps = jnp.zeros((), jnp.float32)  # train_eps init 0
    return {"node": node, "adj": adj, "batch_ptr": batch_ptr, "eps": eps,
            "W1": W1, "b1": b1, "g1": g1, "be1": be1,
            "W2": W2, "b2": b2, "g2": g2, "be2": be2,
            "W3": W3, "b3": b3, "gn": gn, "bn": bn}

def reference(node, adj, batch_ptr, eps, W1, b1, g1, be1, W2, b2, g2, be2, W3, b3, gn, bn):
    src = adj[0]
    dst = adj[1]
    # GINConv aggregation: sum of neighbor features into destination node
    agg = jax.ops.segment_sum(node[src], dst, num_segments=N)
    h = (1.0 + eps) * node + agg
    # PyG MLP: lin -> LayerNorm -> ReLU -> lin -> LayerNorm -> ReLU -> lin (plain last)
    h = h @ W1.T + b1
    h = jax.nn.relu(_ln(h, g1, be1))
    h = h @ W2.T + b2
    h = jax.nn.relu(_ln(h, g2, be2))
    h = h @ W3.T + b3
    # PyG LayerNorm (mode='node') over feature dim, batch_ptr unused in node mode
    out = jax.nn.relu(_ln(h, gn, bn))
    return out

if __name__ == "__main__":
    import jax
    _d = setup_inputs()
    print(jax.jit(kernel)(*tuple(_d.values())))

</pallas_src>

<mosaic_0001>
#map = affine_map<(d0, d1) -> (0, 0)>
module attributes {stable_mosaic.version = 14 : i64} {
  func.func @agg(%arg0: i32, %arg1: i32, %arg2: memref<10000x128xf32, #tpu.memory_space<hbm>>, %arg3: memref<2x320000xi32, #tpu.memory_space<hbm>>, %arg4: memref<20480x128xf32, #tpu.memory_space<hbm>>, %arg5: memref<4x128xi32, #tpu.memory_space<vmem>>, %arg6: memref<4x128xi32, #tpu.memory_space<vmem>>, %arg7: memref<128x128xf32, #tpu.memory_space<vmem>>, %arg8: memref<128x128xf32, #tpu.memory_space<vmem>>, %arg9: memref<10240x128xf32, #tpu.memory_space<vmem_shared>>, %arg10: memref<!tpu.dma_semaphore, #tpu.memory_space<semaphore_mem>>, %arg11: memref<!tpu.dma_semaphore, #tpu.memory_space<semaphore_mem>>, %arg12: memref<!tpu.dma_semaphore, #tpu.memory_space<semaphore_mem>>, %arg13: memref<!tpu.dma_semaphore, #tpu.memory_space<semaphore_mem>>, %arg14: memref<!tpu.dma_semaphore, #tpu.memory_space<semaphore_mem>>, %arg15: memref<!tpu.dma_semaphore, #tpu.memory_space<semaphore_mem>>, %arg16: memref<!tpu.dma_semaphore, #tpu.memory_space<semaphore_mem>>, %arg17: memref<!tpu.dma_semaphore, #tpu.memory_space<semaphore_mem>>, %arg18: memref<!tpu.dma_semaphore, #tpu.memory_space<semaphore_mem>>, %arg19: memref<!tpu.dma_semaphore, #tpu.memory_space<semaphore_mem>>) attributes {dimension_semantics = [#tpu.dimension_semantics<core_parallel>, #tpu.dimension_semantics<subcore_parallel>], iteration_bounds = array<i64: 2, 16>, scalar_prefetch = 0 : i64, scratch_operands = 15 : i64, tpu.core_type = #tpu.core_type<sc_vector_subcore>, window_params = [{transform_indices = #map}, {transform_indices = #map}, {transform_indices = #map}]} {
    %eq3A = arith.constant 0 : i32
    %eq3A_0 = arith.cmpi eq, %arg0, %eq3A : i32
    %jit3A = arith.constant 80 : i32
    %jit3A_1 = arith.constant 80 : i32
    %select_n3A = arith.select %eq3A_0, %jit3A, %jit3A_1 : i32
    %eq3A_2 = arith.constant 0 : i32
    %eq3A_3 = arith.cmpi eq, %arg0, %eq3A_2 : i32
    %jit3A_4 = arith.constant 0 : i32
    %jit3A_5 = arith.constant 1280 : i32
    %select_n3A_6 = arith.select %eq3A_3, %jit3A_4, %jit3A_5 : i32
    %mul3A = arith.muli %arg1, %select_n3A : i32
    %add3A = arith.addi %select_n3A_6, %mul3A : i32
    %sub3A = arith.constant 2500 : i32
    %sub3A_7 = arith.subi %sub3A, %add3A : i32
    %min3A = arith.minsi %select_n3A, %sub3A_7 : i32
    %max3A = arith.constant 0 : i32
    %max3A_8 = arith.maxsi %max3A, %min3A : i32
    %broadcast_in_dim3A = arith.constant 0.000000e+00 : f32
    %broadcast_in_dim3A_9 = vector.broadcast %broadcast_in_dim3A : f32 to vector<16xf32>
    %scan3A = arith.constant 0 : i32
    %scan3A_10 = arith.constant 0 : i32
    %scan3A_11 = arith.constant 1024 : i32
    %scan3A_12 = arith.addi %scan3A_10, %scan3A_11 : i32
    %scan3A_13 = arith.constant 1 : i32
    scf.for %scan3A_126 = %scan3A_10 to %scan3A_12 step %scan3A_13  : i32 {
      %jit3A_127 = arith.constant 8 : i32
      %div3A_128 = arith.divsi %scan3A_126, %jit3A_127 : i32
      %sign3A_129 = arith.constant 0 : i32
      %sign3A_130 = arith.cmpi sgt, %scan3A_126, %sign3A_129 : i32
      %sign3A_131 = arith.extui %sign3A_130 : i1 to i32
      %sign3A_132 = arith.constant 0 : i32
      %sign3A_133 = arith.cmpi slt, %scan3A_126, %sign3A_132 : i32
      %sign3A_134 = arith.extui %sign3A_133 : i1 to i32
      %sign3A_135 = arith.subi %sign3A_131, %sign3A_134 : i32
      %sign3A_136 = arith.constant 0 : i32
      %sign3A_137 = arith.cmpi sgt, %jit3A_127, %sign3A_136 : i32
      %sign3A_138 = arith.extui %sign3A_137 : i1 to i32
      %sign3A_139 = arith.constant 0 : i32
      %sign3A_140 = arith.cmpi slt, %jit3A_127, %sign3A_139 : i32
      %sign3A_141 = arith.extui %sign3A_140 : i1 to i32
      %sign3A_142 = arith.subi %sign3A_138, %sign3A_141 : i32
      %ne3A_143 = arith.cmpi ne, %sign3A_135, %sign3A_142 : i32
      %rem3A_144 = arith.remsi %scan3A_126, %jit3A_127 : i32
      %ne3A_145 = arith.constant 0 : i32
      %ne3A_146 = arith.cmpi ne, %rem3A_144, %ne3A_145 : i32
      %and3A_147 = arith.andi %ne3A_143, %ne3A_146 : i1
      %sub3A_148 = arith.constant 1 : i32
      %sub3A_149 = arith.subi %div3A_128, %sub3A_148 : i32
      %select_n3A_150 = arith.select %and3A_147, %sub3A_149, %div3A_128 : i32
      %jit3A_151 = arith.constant 8 : i32
      %eq3A_152 = arith.constant 0 : i32
      %eq3A_153 = arith.cmpi eq, %jit3A_151, %eq3A_152 : i32
      %jit3A_154 = arith.constant 1 : i32
      %select_n3A_155 = arith.select %eq3A_153, %jit3A_154, %jit3A_151 : i32
      %rem3A_156 = arith.remsi %scan3A_126, %select_n3A_155 : i32
      %ne3A_157 = arith.constant 0 : i32
      %ne3A_158 = arith.cmpi ne, %rem3A_156, %ne3A_157 : i32
      %lt3A = arith.constant 0 : i32
      %lt3A_159 = arith.cmpi slt, %rem3A_156, %lt3A : i32
      %lt3A_160 = arith.constant 0 : i32
      %lt3A_161 = arith.cmpi slt, %select_n3A_155, %lt3A_160 : i32
      %ne3A_162 = arith.xori %lt3A_159, %lt3A_161 : i1
      %and3A_163 = arith.andi %ne3A_162, %ne3A_158 : i1
      %add3A_164 = arith.addi %rem3A_156, %select_n3A_155 : i32
      %select_n3A_165 = arith.select %and3A_163, %add3A_164, %rem3A_156 : i32
      %mul3A_166 = arith.constant 16 : i32
      %mul3A_167 = arith.muli %select_n3A_165, %mul3A_166 : i32
      %swap3A = arith.index_cast %select_n3A_150 : i32 to index
      %swap3A_168 = arith.index_cast %mul3A_167 : i32 to index
      %swap3A_169 = tpu.vector_load %arg7[%swap3A, %swap3A_168] {strides = array<i32>} : memref<128x128xf32, #tpu.memory_space<vmem>>, vector<1x16xf32>,
      %swap3A_170 = vector.shape_cast %swap3A_169 : vector<1x16xf32> to vector<16xf32>
      %swap3A_171 = vector.shape_cast %broadcast_in_dim3A_9 : vector<16xf32> to vector<1x16xf32>
      tpu.vector_store %arg7[%swap3A, %swap3A_168], %swap3A_171 {strides = array<i32>} : memref<128x128xf32, #tpu.memory_space<vmem>>, vector<1x16xf32>,
    }
    %scan3A_14 = arith.constant 1024 : i32
    %mul3A_15 = arith.constant 640 : i32
    %mul3A_16 = arith.muli %arg1, %mul3A_15 : i32
    %add3A_17 = arith.constant 0 : i32
    %add3A_18 = arith.addi %mul3A_16, %add3A_17 : i32
    "tpu.region"() ({
      %run_scoped3A = tpu.sem_alloc : memref<!tpu.dma_semaphore, #tpu.memory_space<semaphore_mem>>
      %dma_start3A = arith.constant 0 : i32
      %dma_start3A_126 = tpu.memref_slice %arg9[%add3A_18, %dma_start3A] : memref<10240x128xf32, #tpu.memory_space<vmem_shared>> -> memref<128x128xf32, #tpu.memory_space<vmem_shared>>
      %dma_start3A_127 = arith.constant 0 : i32
      %dma_start3A_128 = tpu.memref_slice %arg9[%add3A_18, %dma_start3A_127] : memref<10240x128xf32, #tpu.memory_space<vmem_shared>> -> memref<128x128xf32, #tpu.memory_space<vmem_shared>>
      tpu.enqueue_dma source(%arg7 : memref<128x128xf32, #tpu.memory_space<vmem>>) target(%dma_start3A_128 : memref<128x128xf32, #tpu.memory_space<vmem_shared>>) target_semaphore(%run_scoped3A : memref<!tpu.dma_semaphore, #tpu.memory_space<semaphore_mem>>)
      %dma_wait3A = arith.constant 0 : i32
      %dma_wait3A_129 = tpu.memref_slice %arg9[%add3A_18, %dma_wait3A] : memref<10240x128xf32, #tpu.memory_space<vmem_shared>> -> memref<128x128xf32, #tpu.memory_space<vmem_shared>>
      %dma_wait3A_130 = arith.constant 0 : i32
      %dma_wait3A_131 = tpu.memref_slice %arg9[%add3A_18, %dma_wait3A_130] : memref<10240x128xf32, #tpu.memory_space<vmem_shared>> -> memref<128x128xf32, #tpu.memory_space<vmem_shared>>
      tpu.wait_dma2 semaphore(%run_scoped3A : memref<!tpu.dma_semaphore, #tpu.memory_space<semaphore_mem>>) src(%arg7 : memref<128x128xf32, #tpu.memory_space<vmem>>) dst(%dma_wait3A_131 : memref<128x128xf32, #tpu.memory_space<vmem_shared>>)
      tpu.yield
    }) : () -> ()
    %mul3A_19 = arith.constant 640 : i32
    %mul3A_20 = arith.muli %arg1, %mul3A_19 : i32
    %add3A_21 = arith.constant 128 : i32
    %add3A_22 = arith.addi %mul3A_20, %add3A_21 : i32
    "tpu.region"() ({
      %run_scoped3A = tpu.sem_alloc : memref<!tpu.dma_semaphore, #tpu.memory_space<semaphore_mem>>
      %dma_start3A = arith.constant 0 : i32
      %dma_start3A_126 = tpu.memref_slice %arg9[%add3A_22, %dma_start3A] : memref<10240x128xf32, #tpu.memory_space<vmem_shared>> -> memref<128x128xf32, #tpu.memory_space<vmem_shared>>
      %dma_start3A_127 = arith.constant 0 : i32
      %dma_start3A_128 = tpu.memref_slice %arg9[%add3A_22, %dma_start3A_127] : memref<10240x128xf32, #tpu.memory_space<vmem_shared>> -> memref<128x128xf32, #tpu.memory_space<vmem_shared>>
      tpu.enqueue_dma source(%arg7 : memref<128x128xf32, #tpu.memory_space<vmem>>) target(%dma_start3A_128 : memref<128x128xf32, #tpu.memory_space<vmem_shared>>) target_semaphore(%run_scoped3A : memref<!tpu.dma_semaphore, #tpu.memory_space<semaphore_mem>>)
      %dma_wait3A = arith.constant 0 : i32
      %dma_wait3A_129 = tpu.memref_slice %arg9[%add3A_22, %dma_wait3A] : memref<10240x128xf32, #tpu.memory_space<vmem_shared>> -> memref<128x128xf32, #tpu.memory_space<vmem_shared>>
      %dma_wait3A_130 = arith.constant 0 : i32
      %dma_wait3A_131 = tpu.memref_slice %arg9[%add3A_22, %dma_wait3A_130] : memref<10240x128xf32, #tpu.memory_space<vmem_shared>> -> memref<128x128xf32, #tpu.memory_space<vmem_shared>>
      tpu.wait_dma2 semaphore(%run_scoped3A : memref<!tpu.dma_semaphore, #tpu.memory_space<semaphore_mem>>) src(%arg7 : memref<128x128xf32, #tpu.memory_space<vmem>>) dst(%dma_wait3A_131 : memref<128x128xf32, #tpu.memory_space<vmem_shared>>)
      tpu.yield
    }) : () -> ()
    %mul3A_23 = arith.constant 640 : i32
    %mul3A_24 = arith.muli %arg1, %mul3A_23 : i32
    %add3A_25 = arith.constant 256 : i32
    %add3A_26 = arith.addi %mul3A_24, %add3A_25 : i32
    "tpu.region"() ({
      %run_scoped3A = tpu.sem_alloc : memref<!tpu.dma_semaphore, #tpu.memory_space<semaphore_mem>>
      %dma_start3A = arith.constant 0 : i32
      %dma_start3A_126 = tpu.memref_slice %arg9[%add3A_26, %dma_start3A] : memref<10240x128xf32, #tpu.memory_space<vmem_shared>> -> memref<128x128xf32, #tpu.memory_space<vmem_shared>>
      %dma_start3A_127 = arith.constant 0 : i32
      %dma_start3A_128 = tpu.memref_slice %arg9[%add3A_26, %dma_start3A_127] : memref<10240x128xf32, #tpu.memory_space<vmem_shared>> -> memref<128x128xf32, #tpu.memory_space<vmem_shared>>
      tpu.enqueue_dma source(%arg7 : memref<128x128xf32, #tpu.memory_space<vmem>>) target(%dma_start3A_128 : memref<128x128xf32, #tpu.memory_space<vmem_shared>>) target_semaphore(%run_scoped3A : memref<!tpu.dma_semaphore, #tpu.memory_space<semaphore_mem>>)
      %dma_wait3A = arith.constant 0 : i32
      %dma_wait3A_129 = tpu.memref_slice %arg9[%add3A_26, %dma_wait3A] : memref<10240x128xf32, #tpu.memory_space<vmem_shared>> -> memref<128x128xf32, #tpu.memory_space<vmem_shared>>
      %dma_wait3A_130 = arith.constant 0 : i32
      %dma_wait3A_131 = tpu.memref_slice %arg9[%add3A_26, %dma_wait3A_130] : memref<10240x128xf32, #tpu.memory_space<vmem_shared>> -> memref<128x128xf32, #tpu.memory_space<vmem_shared>>
      tpu.wait_dma2 semaphore(%run_scoped3A : memref<!tpu.dma_semaphore, #tpu.memory_space<semaphore_mem>>) src(%arg7 : memref<128x128xf32, #tpu.memory_space<vmem>>) dst(%dma_wait3A_131 : memref<128x128xf32, #tpu.memory_space<vmem_shared>>)
      tpu.yield
    }) : () -> ()
    %mul3A_27 = arith.constant 640 : i32
    %mul3A_28 = arith.muli %arg1, %mul3A_27 : i32
    %add3A_29 = arith.constant 384 : i32
    %add3A_30 = arith.addi %mul3A_28, %add3A_29 : i32
    "tpu.region"() ({
      %run_scoped3A = tpu.sem_alloc : memref<!tpu.dma_semaphore, #tpu.memory_space<semaphore_mem>>
      %dma_start3A = arith.constant 0 : i32
      %dma_start3A_126 = tpu.memref_slice %arg9[%add3A_30, %dma_start3A] : memref<10240x128xf32, #tpu.memory_space<vmem_shared>> -> memref<128x128xf32, #tpu.memory_space<vmem_shared>>
      %dma_start3A_127 = arith.constant 0 : i32
      %dma_start3A_128 = tpu.memref_slice %arg9[%add3A_30, %dma_start3A_127] : memref<10240x128xf32, #tpu.memory_space<vmem_shared>> -> memref<128x128xf32, #tpu.memory_space<vmem_shared>>
      tpu.enqueue_dma source(%arg7 : memref<128x128xf32, #tpu.memory_space<vmem>>) target(%dma_start3A_128 : memref<128x128xf32, #tpu.memory_space<vmem_shared>>) target_semaphore(%run_scoped3A : memref<!tpu.dma_semaphore, #tpu.memory_space<semaphore_mem>>)
      %dma_wait3A = arith.constant 0 : i32
      %dma_wait3A_129 = tpu.memref_slice %arg9[%add3A_30, %dma_wait3A] : memref<10240x128xf32, #tpu.memory_space<vmem_shared>> -> memref<128x128xf32, #tpu.memory_space<vmem_shared>>
      %dma_wait3A_130 = arith.constant 0 : i32
      %dma_wait3A_131 = tpu.memref_slice %arg9[%add3A_30, %dma_wait3A_130] : memref<10240x128xf32, #tpu.memory_space<vmem_shared>> -> memref<128x128xf32, #tpu.memory_space<vmem_shared>>
      tpu.wait_dma2 semaphore(%run_scoped3A : memref<!tpu.dma_semaphore, #tpu.memory_space<semaphore_mem>>) src(%arg7 : memref<128x128xf32, #tpu.memory_space<vmem>>) dst(%dma_wait3A_131 : memref<128x128xf32, #tpu.memory_space<vmem_shared>>)
      tpu.yield
    }) : () -> ()
    %mul3A_31 = arith.constant 640 : i32
    %mul3A_32 = arith.muli %arg1, %mul3A_31 : i32
    %add3A_33 = arith.constant 512 : i32
    %add3A_34 = arith.addi %mul3A_32, %add3A_33 : i32
    "tpu.region"() ({
      %run_scoped3A = tpu.sem_alloc : memref<!tpu.dma_semaphore, #tpu.memory_space<semaphore_mem>>
      %dma_start3A = arith.constant 0 : i32
      %dma_start3A_126 = tpu.memref_slice %arg9[%add3A_34, %dma_start3A] : memref<10240x128xf32, #tpu.memory_space<vmem_shared>> -> memref<128x128xf32, #tpu.memory_space<vmem_shared>>
      %dma_start3A_127 = arith.constant 0 : i32
      %dma_start3A_128 = tpu.memref_slice %arg9[%add3A_34, %dma_start3A_127] : memref<10240x128xf32, #tpu.memory_space<vmem_shared>> -> memref<128x128xf32, #tpu.memory_space<vmem_shared>>
      tpu.enqueue_dma source(%arg7 : memref<128x128xf32, #tpu.memory_space<vmem>>) target(%dma_start3A_128 : memref<128x128xf32, #tpu.memory_space<vmem_shared>>) target_semaphore(%run_scoped3A : memref<!tpu.dma_semaphore, #tpu.memory_space<semaphore_mem>>)
      %dma_wait3A = arith.constant 0 : i32
      %dma_wait3A_129 = tpu.memref_slice %arg9[%add3A_34, %dma_wait3A] : memref<10240x128xf32, #tpu.memory_space<vmem_shared>> -> memref<128x128xf32, #tpu.memory_space<vmem_shared>>
      %dma_wait3A_130 = arith.constant 0 : i32
      %dma_wait3A_131 = tpu.memref_slice %arg9[%add3A_34, %dma_wait3A_130] : memref<10240x128xf32, #tpu.memory_space<vmem_shared>> -> memref<128x128xf32, #tpu.memory_space<vmem_shared>>
      tpu.wait_dma2 semaphore(%run_scoped3A : memref<!tpu.dma_semaphore, #tpu.memory_space<semaphore_mem>>) src(%arg7 : memref<128x128xf32, #tpu.memory_space<vmem>>) dst(%dma_wait3A_131 : memref<128x128xf32, #tpu.memory_space<vmem_shared>>)
      tpu.yield
    }) : () -> ()
    %barrier3A = arith.constant 0 : index
    tpu.barrier barrier_id(%barrier3A)
    %gt3A = arith.constant 0 : i32
    %gt3A_35 = arith.cmpi sgt, %max3A_8, %gt3A : i32
    %convert_element_type3A = arith.extui %gt3A_35 : i1 to i32
    %cond3A = arith.constant 0 : i32
    %cond3A_36 = arith.cmpi ne, %convert_element_type3A, %cond3A : i32
    scf.if %cond3A_36 {
      %add3A_126 = arith.constant 0 : i32
      %add3A_127 = arith.addi %add3A, %add3A_126 : i32
      %mul3A_128 = arith.constant 128 : i32
      %mul3A_129 = arith.muli %add3A_127, %mul3A_128 : i32
      %dma_start3A = arith.constant 0 : i32
      %dma_start3A_130 = arith.constant 0 : i32
      %dma_start3A_131 = arith.constant 0 : i32
      %dma_start3A_132 = tpu.memref_slice %arg5[%dma_start3A_130, %dma_start3A_131] : memref<4x128xi32, #tpu.memory_space<vmem>> -> memref<1x128xi32, #tpu.memory_space<vmem>>
      %dma_start3A_133 = tpu.memref_squeeze %dma_start3A_132 : memref<1x128xi32, #tpu.memory_space<vmem>> -> memref<128xi32, #tpu.memory_space<vmem>>
      %dma_start3A_134 = tpu.memref_slice %arg3[%dma_start3A, %mul3A_129] : memref<2x320000xi32, #tpu.memory_space<hbm>> -> memref<1x128xi32, #tpu.memory_space<hbm>>
      %dma_start3A_135 = tpu.memref_squeeze %dma_start3A_134 : memref<1x128xi32, #tpu.memory_space<hbm>> -> memref<128xi32, #tpu.memory_space<hbm>>
      %dma_start3A_136 = arith.constant 0 : i32
      %dma_start3A_137 = tpu.memref_slice %arg5[%dma_start3A_130, %dma_start3A_136] : memref<4x128xi32, #tpu.memory_space<vmem>> -> memref<1x128xi32, #tpu.memory_space<vmem>>
      %dma_start3A_138 = tpu.memref_squeeze %dma_start3A_137 : memref<1x128xi32, #tpu.memory_space<vmem>> -> memref<128xi32, #tpu.memory_space<vmem>>
      %dma_start3A_139 = tpu.memref_slice %arg3[%dma_start3A, %mul3A_129] : memref<2x320000xi32, #tpu.memory_space<hbm>> -> memref<1x128xi32, #tpu.memory_space<hbm>>
      %dma_start3A_140 = tpu.memref_squeeze %dma_start3A_139 : memref<1x128xi32, #tpu.memory_space<hbm>> -> memref<128xi32, #tpu.memory_space<hbm>>
      tpu.enqueue_dma source(%dma_start3A_140 : memref<128xi32, #tpu.memory_space<hbm>>) target(%dma_start3A_138 : memref<128xi32, #tpu.memory_space<vmem>>) target_semaphore(%arg10 : memref<!tpu.dma_semaphore, #tpu.memory_space<semaphore_mem>>)
      %dma_start3A_141 = arith.constant 1 : i32
      %dma_start3A_142 = arith.constant 0 : i32
      %dma_start3A_143 = arith.constant 0 : i32
      %dma_start3A_144 = tpu.memref_slice %arg6[%dma_start3A_142, %dma_start3A_143] : memref<4x128xi32, #tpu.memory_space<vmem>> -> memref<1x128xi32, #tpu.memory_space<vmem>>
      %dma_start3A_145 = tpu.memref_squeeze %dma_start3A_144 : memref<1x128xi32, #tpu.memory_space<vmem>> -> memref<128xi32, #tpu.memory_space<vmem>>
      %dma_start3A_146 = tpu.memref_slice %arg3[%dma_start3A_141, %mul3A_129] : memref<2x320000xi32, #tpu.memory_space<hbm>> -> memref<1x128xi32, #tpu.memory_space<hbm>>
      %dma_start3A_147 = tpu.memref_squeeze %dma_start3A_146 : memref<1x128xi32, #tpu.memory_space<hbm>> -> memref<128xi32, #tpu.memory_space<hbm>>
      %dma_start3A_148 = arith.constant 0 : i32
      %dma_start3A_149 = tpu.memref_slice %arg6[%dma_start3A_142, %dma_start3A_148] : memref<4x128xi32, #tpu.memory_space<vmem>> -> memref<1x128xi32, #tpu.memory_space<vmem>>
      %dma_start3A_150 = tpu.memref_squeeze %dma_start3A_149 : memref<1x128xi32, #tpu.memory_space<vmem>> -> memref<128xi32, #tpu.memory_space<vmem>>
      %dma_start3A_151 = tpu.memref_slice %arg3[%dma_start3A_141, %mul3A_129] : memref<2x320000xi32, #tpu.memory_space<hbm>> -> memref<1x128xi32, #tpu.memory_space<hbm>>
      %dma_start3A_152 = tpu.memref_squeeze %dma_start3A_151 : memref<1x128xi32, #tpu.memory_space<hbm>> -> memref<128xi32, #tpu.memory_space<hbm>>
      tpu.enqueue_dma source(%dma_start3A_152 : memref<128xi32, #tpu.memory_space<hbm>>) target(%dma_start3A_150 : memref<128xi32, #tpu.memory_space<vmem>>) target_semaphore(%arg14 : memref<!tpu.dma_semaphore, #tpu.memory_space<semaphore_mem>>)
    } else {
    }
    %gt3A_37 = arith.constant 1 : i32
    %gt3A_38 = arith.cmpi sgt, %max3A_8, %gt3A_37 : i32
    %convert_element_type3A_39 = arith.extui %gt3A_38 : i1 to i32
    %cond3A_40 = arith.constant 0 : i32
    %cond3A_41 = arith.cmpi ne, %convert_element_type3A_39, %cond3A_40 : i32
    scf.if %cond3A_41 {
      %add3A_126 = arith.constant 1 : i32
      %add3A_127 = arith.addi %add3A, %add3A_126 : i32
      %mul3A_128 = arith.constant 128 : i32
      %mul3A_129 = arith.muli %add3A_127, %mul3A_128 : i32
      %dma_start3A = arith.constant 0 : i32
      %dma_start3A_130 = arith.constant 1 : i32
      %dma_start3A_131 = arith.constant 0 : i32
      %dma_start3A_132 = tpu.memref_slice %arg5[%dma_start3A_130, %dma_start3A_131] : memref<4x128xi32, #tpu.memory_space<vmem>> -> memref<1x128xi32, #tpu.memory_space<vmem>>
      %dma_start3A_133 = tpu.memref_squeeze %dma_start3A_132 : memref<1x128xi32, #tpu.memory_space<vmem>> -> memref<128xi32, #tpu.memory_space<vmem>>
      %dma_start3A_134 = tpu.memref_slice %arg3[%dma_start3A, %mul3A_129] : memref<2x320000xi32, #tpu.memory_space<hbm>> -> memref<1x128xi32, #tpu.memory_space<hbm>>
      %dma_start3A_135 = tpu.memref_squeeze %dma_start3A_134 : memref<1x128xi32, #tpu.memory_space<hbm>> -> memref<128xi32, #tpu.memory_space<hbm>>
      %dma_start3A_136 = arith.constant 0 : i32
      %dma_start3A_137 = tpu.memref_slice %arg5[%dma_start3A_130, %dma_start3A_136] : memref<4x128xi32, #tpu.memory_space<vmem>> -> memref<1x128xi32, #tpu.memory_space<vmem>>
      %dma_start3A_138 = tpu.memref_squeeze %dma_start3A_137 : memref<1x128xi32, #tpu.memory_space<vmem>> -> memref<128xi32, #tpu.memory_space<vmem>>
      %dma_start3A_139 = tpu.memref_slice %arg3[%dma_start3A, %mul3A_129] : memref<2x320000xi32, #tpu.memory_space<hbm>> -> memref<1x128xi32, #tpu.memory_space<hbm>>
      %dma_start3A_140 = tpu.memref_squeeze %dma_start3A_139 : memref<1x128xi32, #tpu.memory_space<hbm>> -> memref<128xi32, #tpu.memory_space<hbm>>
      tpu.enqueue_dma source(%dma_start3A_140 : memref<128xi32, #tpu.memory_space<hbm>>) target(%dma_start3A_138 : memref<128xi32, #tpu.memory_space<vmem>>) target_semaphore(%arg11 : memref<!tpu.dma_semaphore, #tpu.memory_space<semaphore_mem>>)
      %dma_start3A_141 = arith.constant 1 : i32
      %dma_start3A_142 = arith.constant 1 : i32
      %dma_start3A_143 = arith.constant 0 : i32
      %dma_start3A_144 = tpu.memref_slice %arg6[%dma_start3A_142, %dma_start3A_143] : memref<4x128xi32, #tpu.memory_space<vmem>> -> memref<1x128xi32, #tpu.memory_space<vmem>>
      %dma_start3A_145 = tpu.memref_squeeze %dma_start3A_144 : memref<1x128xi32, #tpu.memory_space<vmem>> -> memref<128xi32, #tpu.memory_space<vmem>>
      %dma_start3A_146 = tpu.memref_slice %arg3[%dma_start3A_141, %mul3A_129] : memref<2x320000xi32, #tpu.memory_space<hbm>> -> memref<1x128xi32, #tpu.memory_space<hbm>>
      %dma_start3A_147 = tpu.memref_squeeze %dma_start3A_146 : memref<1x128xi32, #tpu.memory_space<hbm>> -> memref<128xi32, #tpu.memory_space<hbm>>
      %dma_start3A_148 = arith.constant 0 : i32
      %dma_start3A_149 = tpu.memref_slice %arg6[%dma_start3A_142, %dma_start3A_148] : memref<4x128xi32, #tpu.memory_space<vmem>> -> memref<1x128xi32, #tpu.memory_space<vmem>>
      %dma_start3A_150 = tpu.memref_squeeze %dma_start3A_149 : memref<1x128xi32, #tpu.memory_space<vmem>> -> memref<128xi32, #tpu.memory_space<vmem>>
      %dma_start3A_151 = tpu.memref_slice %arg3[%dma_start3A_141, %mul3A_129] : memref<2x320000xi32, #tpu.memory_space<hbm>> -> memref<1x128xi32, #tpu.memory_space<hbm>>
      %dma_start3A_152 = tpu.memref_squeeze %dma_start3A_151 : memref<1x128xi32, #tpu.memory_space<hbm>> -> memref<128xi32, #tpu.memory_space<hbm>>
      tpu.enqueue_dma source(%dma_start3A_152 : memref<128xi32, #tpu.memory_space<hbm>>) target(%dma_start3A_150 : memref<128xi32, #tpu.memory_space<vmem>>) target_semaphore(%arg15 : memref<!tpu.dma_semaphore, #tpu.memory_space<semaphore_mem>>)
    } else {
    }
    %gt3A_42 = arith.constant 2 : i32
    %gt3A_43 = arith.cmpi sgt, %max3A_8, %gt3A_42 : i32
    %convert_element_type3A_44 = arith.extui %gt3A_43 : i1 to i32
    %cond3A_45 = arith.constant 0 : i32
    %cond3A_46 = arith.cmpi ne, %convert_element_type3A_44, %cond3A_45 : i32
    scf.if %cond3A_46 {
      %add3A_126 = arith.constant 2 : i32
      %add3A_127 = arith.addi %add3A, %add3A_126 : i32
      %mul3A_128 = arith.constant 128 : i32
      %mul3A_129 = arith.muli %add3A_127, %mul3A_128 : i32
      %dma_start3A = arith.constant 0 : i32
      %dma_start3A_130 = arith.constant 2 : i32
      %dma_start3A_131 = arith.constant 0 : i32
      %dma_start3A_132 = tpu.memref_slice %arg5[%dma_start3A_130, %dma_start3A_131] : memref<4x128xi32, #tpu.memory_space<vmem>> -> memref<1x128xi32, #tpu.memory_space<vmem>>
      %dma_start3A_133 = tpu.memref_squeeze %dma_start3A_132 : memref<1x128xi32, #tpu.memory_space<vmem>> -> memref<128xi32, #tpu.memory_space<vmem>>
      %dma_start3A_134 = tpu.memref_slice %arg3[%dma_start3A, %mul3A_129] : memref<2x320000xi32, #tpu.memory_space<hbm>> -> memref<1x128xi32, #tpu.memory_space<hbm>>
      %dma_start3A_135 = tpu.memref_squeeze %dma_start3A_134 : memref<1x128xi32, #tpu.memory_space<hbm>> -> memref<128xi32, #tpu.memory_space<hbm>>
      %dma_start3A_136 = arith.constant 0 : i32
      %dma_start3A_137 = tpu.memref_slice %arg5[%dma_start3A_130, %dma_start3A_136] : memref<4x128xi32, #tpu.memory_space<vmem>> -> memref<1x128xi32, #tpu.memory_space<vmem>>
      %dma_start3A_138 = tpu.memref_squeeze %dma_start3A_137 : memref<1x128xi32, #tpu.memory_space<vmem>> -> memref<128xi32, #tpu.memory_space<vmem>>
      %dma_start3A_139 = tpu.memref_slice %arg3[%dma_start3A, %mul3A_129] : memref<2x320000xi32, #tpu.memory_space<hbm>> -> memref<1x128xi32, #tpu.memory_space<hbm>>
      %dma_start3A_140 = tpu.memref_squeeze %dma_start3A_139 : memref<1x128xi32, #tpu.memory_space<hbm>> -> memref<128xi32, #tpu.memory_space<hbm>>
      tpu.enqueue_dma source(%dma_start3A_140 : memref<128xi32, #tpu.memory_space<hbm>>) target(%dma_start3A_138 : memref<128xi32, #tpu.memory_space<vmem>>) target_semaphore(%arg12 : memref<!tpu.dma_semaphore, #tpu.memory_space<semaphore_mem>>)
      %dma_start3A_141 = arith.constant 1 : i32
      %dma_start3A_142 = arith.constant 2 : i32
      %dma_start3A_143 = arith.constant 0 : i32
      %dma_start3A_144 = tpu.memref_slice %arg6[%dma_start3A_142, %dma_start3A_143] : memref<4x128xi32, #tpu.memory_space<vmem>> -> memref<1x128xi32, #tpu.memory_space<vmem>>
      %dma_start3A_145 = tpu.memref_squeeze %dma_start3A_144 : memref<1x128xi32, #tpu.memory_space<vmem>> -> memref<128xi32, #tpu.memory_space<vmem>>
      %dma_start3A_146 = tpu.memref_slice %arg3[%dma_start3A_141, %mul3A_129] : memref<2x320000xi32, #tpu.memory_space<hbm>> -> memref<1x128xi32, #tpu.memory_space<hbm>>
      %dma_start3A_147 = tpu.memref_squeeze %dma_start3A_146 : memref<1x128xi32, #tpu.memory_space<hbm>> -> memref<128xi32, #tpu.memory_space<hbm>>
      %dma_start3A_148 = arith.constant 0 : i32
      %dma_start3A_149 = tpu.memref_slice %arg6[%dma_start3A_142, %dma_start3A_148] : memref<4x128xi32, #tpu.memory_space<vmem>> -> memref<1x128xi32, #tpu.memory_space<vmem>>
      %dma_start3A_150 = tpu.memref_squeeze %dma_start3A_149 : memref<1x128xi32, #tpu.memory_space<vmem>> -> memref<128xi32, #tpu.memory_space<vmem>>
      %dma_start3A_151 = tpu.memref_slice %arg3[%dma_start3A_141, %mul3A_129] : memref<2x320000xi32, #tpu.memory_space<hbm>> -> memref<1x128xi32, #tpu.memory_space<hbm>>
      %dma_start3A_152 = tpu.memref_squeeze %dma_start3A_151 : memref<1x128xi32, #tpu.memory_space<hbm>> -> memref<128xi32, #tpu.memory_space<hbm>>
      tpu.enqueue_dma source(%dma_start3A_152 : memref<128xi32, #tpu.memory_space<hbm>>) target(%dma_start3A_150 : memref<128xi32, #tpu.memory_space<vmem>>) target_semaphore(%arg16 : memref<!tpu.dma_semaphore, #tpu.memory_space<semaphore_mem>>)
    } else {
    }
    %gt3A_47 = arith.constant 3 : i32
    %gt3A_48 = arith.cmpi sgt, %max3A_8, %gt3A_47 : i32
    %convert_element_type3A_49 = arith.extui %gt3A_48 : i1 to i32
    %cond3A_50 = arith.constant 0 : i32
    %cond3A_51 = arith.cmpi ne, %convert_element_type3A_49, %cond3A_50 : i32
    scf.if %cond3A_51 {
      %add3A_126 = arith.constant 3 : i32
      %add3A_127 = arith.addi %add3A, %add3A_126 : i32
      %mul3A_128 = arith.constant 128 : i32
      %mul3A_129 = arith.muli %add3A_127, %mul3A_128 : i32
      %dma_start3A = arith.constant 0 : i32
      %dma_start3A_130 = arith.constant 3 : i32
      %dma_start3A_131 = arith.constant 0 : i32
      %dma_start3A_132 = tpu.memref_slice %arg5[%dma_start3A_130, %dma_start3A_131] : memref<4x128xi32, #tpu.memory_space<vmem>> -> memref<1x128xi32, #tpu.memory_space<vmem>>
      %dma_start3A_133 = tpu.memref_squeeze %dma_start3A_132 : memref<1x128xi32, #tpu.memory_space<vmem>> -> memref<128xi32, #tpu.memory_space<vmem>>
      %dma_start3A_134 = tpu.memref_slice %arg3[%dma_start3A, %mul3A_129] : memref<2x320000xi32, #tpu.memory_space<hbm>> -> memref<1x128xi32, #tpu.memory_space<hbm>>
      %dma_start3A_135 = tpu.memref_squeeze %dma_start3A_134 : memref<1x128xi32, #tpu.memory_space<hbm>> -> memref<128xi32, #tpu.memory_space<hbm>>
      %dma_start3A_136 = arith.constant 0 : i32
      %dma_start3A_137 = tpu.memref_slice %arg5[%dma_start3A_130, %dma_start3A_136] : memref<4x128xi32, #tpu.memory_space<vmem>> -> memref<1x128xi32, #tpu.memory_space<vmem>>
      %dma_start3A_138 = tpu.memref_squeeze %dma_start3A_137 : memref<1x128xi32, #tpu.memory_space<vmem>> -> memref<128xi32, #tpu.memory_space<vmem>>
      %dma_start3A_139 = tpu.memref_slice %arg3[%dma_start3A, %mul3A_129] : memref<2x320000xi32, #tpu.memory_space<hbm>> -> memref<1x128xi32, #tpu.memory_space<hbm>>
      %dma_start3A_140 = tpu.memref_squeeze %dma_start3A_139 : memref<1x128xi32, #tpu.memory_space<hbm>> -> memref<128xi32, #tpu.memory_space<hbm>>
      tpu.enqueue_dma source(%dma_start3A_140 : memref<128xi32, #tpu.memory_space<hbm>>) target(%dma_start3A_138 : memref<128xi32, #tpu.memory_space<vmem>>) target_semaphore(%arg13 : memref<!tpu.dma_semaphore, #tpu.memory_space<semaphore_mem>>)
      %dma_start3A_141 = arith.constant 1 : i32
      %dma_start3A_142 = arith.constant 3 : i32
      %dma_start3A_143 = arith.constant 0 : i32
      %dma_start3A_144 = tpu.memref_slice %arg6[%dma_start3A_142, %dma_start3A_143] : memref<4x128xi32, #tpu.memory_space<vmem>> -> memref<1x128xi32, #tpu.memory_space<vmem>>
      %dma_start3A_145 = tpu.memref_squeeze %dma_start3A_144 : memref<1x128xi32, #tpu.memory_space<vmem>> -> memref<128xi32, #tpu.memory_space<vmem>>
      %dma_start3A_146 = tpu.memref_slice %arg3[%dma_start3A_141, %mul3A_129] : memref<2x320000xi32, #tpu.memory_space<hbm>> -> memref<1x128xi32, #tpu.memory_space<hbm>>
      %dma_start3A_147 = tpu.memref_squeeze %dma_start3A_146 : memref<1x128xi32, #tpu.memory_space<hbm>> -> memref<128xi32, #tpu.memory_space<hbm>>
      %dma_start3A_148 = arith.constant 0 : i32
      %dma_start3A_149 = tpu.memref_slice %arg6[%dma_start3A_142, %dma_start3A_148] : memref<4x128xi32, #tpu.memory_space<vmem>> -> memref<1x128xi32, #tpu.memory_space<vmem>>
      %dma_start3A_150 = tpu.memref_squeeze %dma_start3A_149 : memref<1x128xi32, #tpu.memory_space<vmem>> -> memref<128xi32, #tpu.memory_space<vmem>>
      %dma_start3A_151 = tpu.memref_slice %arg3[%dma_start3A_141, %mul3A_129] : memref<2x320000xi32, #tpu.memory_space<hbm>> -> memref<1x128xi32, #tpu.memory_space<hbm>>
      %dma_start3A_152 = tpu.memref_squeeze %dma_start3A_151 : memref<1x128xi32, #tpu.memory_space<hbm>> -> memref<128xi32, #tpu.memory_space<hbm>>
      tpu.enqueue_dma source(%dma_start3A_152 : memref<128xi32, #tpu.memory_space<hbm>>) target(%dma_start3A_150 : memref<128xi32, #tpu.memory_space<vmem>>) target_semaphore(%arg17 : memref<!tpu.dma_semaphore, #tpu.memory_space<semaphore_mem>>)
    } else {
    }
    %gt3A_52 = arith.constant 0 : i32
    %gt3A_53 = arith.cmpi sgt, %max3A_8, %gt3A_52 : i32
    %convert_element_type3A_54 = arith.extui %gt3A_53 : i1 to i32
    %cond3A_55 = arith.constant 0 : i32
    %cond3A_56 = arith.cmpi ne, %convert_element_type3A_54, %cond3A_55 : i32
    scf.if %cond3A_56 {
      %dma_wait3A = arith.constant 0 : i32
      %dma_wait3A_126 = arith.constant 0 : i32
      %dma_wait3A_127 = arith.constant 0 : i32
      %dma_wait3A_128 = tpu.memref_slice %arg5[%dma_wait3A_126, %dma_wait3A_127] : memref<4x128xi32, #tpu.memory_space<vmem>> -> memref<1x128xi32, #tpu.memory_space<vmem>>
      %dma_wait3A_129 = tpu.memref_squeeze %dma_wait3A_128 : memref<1x128xi32, #tpu.memory_space<vmem>> -> memref<128xi32, #tpu.memory_space<vmem>>
      %dma_wait3A_130 = arith.constant 0 : i32
      %dma_wait3A_131 = tpu.memref_slice %arg3[%dma_wait3A, %dma_wait3A_130] : memref<2x320000xi32, #tpu.memory_space<hbm>> -> memref<1x128xi32, #tpu.memory_space<hbm>>
      %dma_wait3A_132 = tpu.memref_squeeze %dma_wait3A_131 : memref<1x128xi32, #tpu.memory_space<hbm>> -> memref<128xi32, #tpu.memory_space<hbm>>
      %dma_wait3A_133 = arith.constant 0 : i32
      %dma_wait3A_134 = tpu.memref_slice %arg5[%dma_wait3A_126, %dma_wait3A_133] : memref<4x128xi32, #tpu.memory_space<vmem>> -> memref<1x128xi32, #tpu.memory_space<vmem>>
      %dma_wait3A_135 = tpu.memref_squeeze %dma_wait3A_134 : memref<1x128xi32, #tpu.memory_space<vmem>> -> memref<128xi32, #tpu.memory_space<vmem>>
      %dma_wait3A_136 = arith.constant 0 : i32
      %dma_wait3A_137 = tpu.memref_slice %arg3[%dma_wait3A, %dma_wait3A_136] : memref<2x320000xi32, #tpu.memory_space<hbm>> -> memref<1x128xi32, #tpu.memory_space<hbm>>
      %dma_wait3A_138 = tpu.memref_squeeze %dma_wait3A_137 : memref<1x128xi32, #tpu.memory_space<hbm>> -> memref<128xi32, #tpu.memory_space<hbm>>
      tpu.wait_dma2 semaphore(%arg10 : memref<!tpu.dma_semaphore, #tpu.memory_space<semaphore_mem>>) src(%dma_wait3A_138 : memref<128xi32, #tpu.memory_space<hbm>>) dst(%dma_wait3A_135 : memref<128xi32, #tpu.memory_space<vmem>>)
      %dma_start3A = arith.constant 0 : i32
      %dma_start3A_139 = arith.constant 0 : i32
      %dma_start3A_140 = tpu.memref_slice %arg5[%dma_start3A, %dma_start3A_139] : memref<4x128xi32, #tpu.memory_space<vmem>> -> memref<1x128xi32, #tpu.memory_space<vmem>>
      %dma_start3A_141 = tpu.memref_squeeze %dma_start3A_140 : memref<1x128xi32, #tpu.memory_space<vmem>> -> memref<128xi32, #tpu.memory_space<vmem>>
      %dma_start3A_142 = arith.constant 0 : i32
      %dma_start3A_143 = arith.constant 0 : i32
      %dma_start3A_144 = tpu.memref_slice %arg2[%dma_start3A_142, %dma_start3A_143] : memref<10000x128xf32, #tpu.memory_space<hbm>> -> memref<10000x128xf32, #tpu.memory_space<hbm>>
      tpu.enqueue_indirect_dma source(%dma_start3A_144 : memref<10000x128xf32, #tpu.memory_space<hbm>>) target(%arg7 : memref<128x128xf32, #tpu.memory_space<vmem>>) offsets(%dma_start3A_141 : memref<128xi32, #tpu.memory_space<vmem>>) semaphore(%arg18 : memref<!tpu.dma_semaphore, #tpu.memory_space<semaphore_mem>>)
    } else {
    }
    %gt3A_57 = arith.constant 1 : i32
    %gt3A_58 = arith.cmpi sgt, %max3A_8, %gt3A_57 : i32
    %convert_element_type3A_59 = arith.extui %gt3A_58 : i1 to i32
    %cond3A_60 = arith.constant 0 : i32
    %cond3A_61 = arith.cmpi ne, %convert_element_type3A_59, %cond3A_60 : i32
    scf.if %cond3A_61 {
      %dma_wait3A = arith.constant 0 : i32
      %dma_wait3A_126 = arith.constant 1 : i32
      %dma_wait3A_127 = arith.constant 0 : i32
      %dma_wait3A_128 = tpu.memref_slice %arg5[%dma_wait3A_126, %dma_wait3A_127] : memref<4x128xi32, #tpu.memory_space<vmem>> -> memref<1x128xi32, #tpu.memory_space<vmem>>
      %dma_wait3A_129 = tpu.memref_squeeze %dma_wait3A_128 : memref<1x128xi32, #tpu.memory_space<vmem>> -> memref<128xi32, #tpu.memory_space<vmem>>
      %dma_wait3A_130 = arith.constant 0 : i32
      %dma_wait3A_131 = tpu.memref_slice %arg3[%dma_wait3A, %dma_wait3A_130] : memref<2x320000xi32, #tpu.memory_space<hbm>> -> memref<1x128xi32, #tpu.memory_space<hbm>>
      %dma_wait3A_132 = tpu.memref_squeeze %dma_wait3A_131 : memref<1x128xi32, #tpu.memory_space<hbm>> -> memref<128xi32, #tpu.memory_space<hbm>>
      %dma_wait3A_133 = arith.constant 0 : i32
      %dma_wait3A_134 = tpu.memref_slice %arg5[%dma_wait3A_126, %dma_wait3A_133] : memref<4x128xi32, #tpu.memory_space<vmem>> -> memref<1x128xi32, #tpu.memory_space<vmem>>
      %dma_wait3A_135 = tpu.memref_squeeze %dma_wait3A_134 : memref<1x128xi32, #tpu.memory_space<vmem>> -> memref<128xi32, #tpu.memory_space<vmem>>
      %dma_wait3A_136 = arith.constant 0 : i32
      %dma_wait3A_137 = tpu.memref_slice %arg3[%dma_wait3A, %dma_wait3A_136] : memref<2x320000xi32, #tpu.memory_space<hbm>> -> memref<1x128xi32, #tpu.memory_space<hbm>>
      %dma_wait3A_138 = tpu.memref_squeeze %dma_wait3A_137 : memref<1x128xi32, #tpu.memory_space<hbm>> -> memref<128xi32, #tpu.memory_space<hbm>>
      tpu.wait_dma2 semaphore(%arg11 : memref<!tpu.dma_semaphore, #tpu.memory_space<semaphore_mem>>) src(%dma_wait3A_138 : memref<128xi32, #tpu.memory_space<hbm>>) dst(%dma_wait3A_135 : memref<128xi32, #tpu.memory_space<vmem>>)
      %dma_start3A = arith.constant 1 : i32
      %dma_start3A_139 = arith.constant 0 : i32
      %dma_start3A_140 = tpu.memref_slice %arg5[%dma_start3A, %dma_start3A_139] : memref<4x128xi32, #tpu.memory_space<vmem>> -> memref<1x128xi32, #tpu.memory_space<vmem>>
      %dma_start3A_141 = tpu.memref_squeeze %dma_start3A_140 : memref<1x128xi32, #tpu.memory_space<vmem>> -> memref<128xi32, #tpu.memory_space<vmem>>
      %dma_start3A_142 = arith.constant 0 : i32
      %dma_start3A_143 = arith.constant 0 : i32
      %dma_start3A_144 = tpu.memref_slice %arg2[%dma_start3A_142, %dma_start3A_143] : memref<10000x128xf32, #tpu.memory_space<hbm>> -> memref<10000x128xf32, #tpu.memory_space<hbm>>
      tpu.enqueue_indirect_dma source(%dma_start3A_144 : memref<10000x128xf32, #tpu.memory_space<hbm>>) target(%arg8 : memref<128x128xf32, #tpu.memory_space<vmem>>) offsets(%dma_start3A_141 : memref<128xi32, #tpu.memory_space<vmem>>) semaphore(%arg19 : memref<!tpu.dma_semaphore, #tpu.memory_space<semaphore_mem>>)
    } else {
    }
    %jit3A_62 = arith.constant 4 : i32
    %div3A = arith.divsi %max3A_8, %jit3A_62 : i32
    %sign3A = arith.constant 0 : i32
    %sign3A_63 = arith.cmpi sgt, %max3A_8, %sign3A : i32
    %sign3A_64 = arith.extui %sign3A_63 : i1 to i32
    %sign3A_65 = arith.constant 0 : i32
    %sign3A_66 = arith.cmpi slt, %max3A_8, %sign3A_65 : i32
    %sign3A_67 = arith.extui %sign3A_66 : i1 to i32
    %sign3A_68 = arith.subi %sign3A_64, %sign3A_67 : i32
    %sign3A_69 = arith.constant 0 : i32
    %sign3A_70 = arith.cmpi sgt, %jit3A_62, %sign3A_69 : i32
    %sign3A_71 = arith.extui %sign3A_70 : i1 to i32
    %sign3A_72 = arith.constant 0 : i32
    %sign3A_73 = arith.cmpi slt, %jit3A_62, %sign3A_72 : i32
    %sign3A_74 = arith.extui %sign3A_73 : i1 to i32
    %sign3A_75 = arith.subi %sign3A_71, %sign3A_74 : i32
    %ne3A = arith.cmpi ne, %sign3A_68, %sign3A_75 : i32
    %rem3A = arith.remsi %max3A_8, %jit3A_62 : i32
    %ne3A_76 = arith.constant 0 : i32
    %ne3A_77 = arith.cmpi ne, %rem3A, %ne3A_76 : i32
    %and3A = arith.andi %ne3A, %ne3A_77 : i1
    %sub3A_78 = arith.constant 1 : i32
    %sub3A_79 = arith.subi %div3A, %sub3A_78 : i32
    %select_n3A_80 = arith.select %and3A, %sub3A_79, %div3A : i32
    %while3A = arith.constant 0 : i32
    %while3A_81 = arith.constant 0 : i32
    %while3A_82 = arith.subi %select_n3A_80, %while3A_81 : i32
    %while3A_83 = arith.addi %while3A_81, %while3A_82 : i32
    %while3A_84 = arith.constant 1 : i32
    %while3A_85 = arith.divsi %while3A_82, %while3A_84 : i32
    %while3A_86 = arith.muli %while3A_85, %while3A_84 : i32
    %while3A_87 = arith.addi %while3A_81, %while3A_86 : i32
    %while3A_88 = arith.constant 1 : i32
    scf.for %while3A_126 = %while3A_81 to %while3A_87 step %while3A_88  : i32 {
      %mul3A_127 = arith.constant 4 : i32
      %mul3A_128 = arith.muli %while3A_126, %mul3A_127 : i32
      %add3A_129 = arith.constant 0 : i32
      %add3A_130 = arith.addi %mul3A_128, %add3A_129 : i32
      %dma_wait3A = arith.constant 0 : i32
      %dma_wait3A_131 = arith.constant 0 : i32
      %dma_wait3A_132 = tpu.memref_slice %arg5[%dma_wait3A, %dma_wait3A_131] : memref<4x128xi32, #tpu.memory_space<vmem>> -> memref<1x128xi32, #tpu.memory_space<vmem>>
      %dma_wait3A_133 = tpu.memref_squeeze %dma_wait3A_132 : memref<1x128xi32, #tpu.memory_space<vmem>> -> memref<128xi32, #tpu.memory_space<vmem>>
      %dma_wait3A_134 = arith.constant 0 : i32
      %dma_wait3A_135 = arith.constant 0 : i32
      %dma_wait3A_136 = tpu.memref_slice %arg2[%dma_wait3A_134, %dma_wait3A_135] : memref<10000x128xf32, #tpu.memory_space<hbm>> -> memref<10000x128xf32, #tpu.memory_space<hbm>>
      tpu.wait_indirect_dma semaphore(%arg18 : memref<!tpu.dma_semaphore, #tpu.memory_space<semaphore_mem>>) src(%dma_wait3A_136 : memref<10000x128xf32, #tpu.memory_space<hbm>>) dst(%arg7 : memref<128x128xf32, #tpu.memory_space<vmem>>)
      %dma_wait3A_137 = arith.constant 0 : i32
      %dma_wait3A_138 = arith.constant 0 : i32
      %dma_wait3A_139 = arith.constant 0 : i32
      %dma_wait3A_140 = tpu.memref_slice %arg5[%dma_wait3A_138, %dma_wait3A_139] : memref<4x128xi32, #tpu.memory_space<vmem>> -> memref<1x128xi32, #tpu.memory_space<vmem>>
      %dma_wait3A_141 = tpu.memref_squeeze %dma_wait3A_140 : memref<1x128xi32, #tpu.memory_space<vmem>> -> memref<128xi32, #tpu.memory_space<vmem>>
      %dma_wait3A_142 = arith.constant 0 : i32
      %dma_wait3A_143 = tpu.memref_slice %arg3[%dma_wait3A_137, %dma_wait3A_142] : memref<2x320000xi32, #tpu.memory_space<hbm>> -> memref<1x128xi32, #tpu.memory_space<hbm>>
      %dma_wait3A_144 = tpu.memref_squeeze %dma_wait3A_143 : memref<1x128xi32, #tpu.memory_space<hbm>> -> memref<128xi32, #tpu.memory_space<hbm>>
      %dma_wait3A_145 = arith.constant 0 : i32
      %dma_wait3A_146 = tpu.memref_slice %arg5[%dma_wait3A_138, %dma_wait3A_145] : memref<4x128xi32, #tpu.memory_space<vmem>> -> memref<1x128xi32, #tpu.memory_space<vmem>>
      %dma_wait3A_147 = tpu.memref_squeeze %dma_wait3A_146 : memref<1x128xi32, #tpu.memory_space<vmem>> -> memref<128xi32, #tpu.memory_space<vmem>>
      %dma_wait3A_148 = arith.constant 0 : i32
      %dma_wait3A_149 = tpu.memref_slice %arg3[%dma_wait3A_137, %dma_wait3A_148] : memref<2x320000xi32, #tpu.memory_space<hbm>> -> memref<1x128xi32, #tpu.memory_space<hbm>>
      %dma_wait3A_150 = tpu.memref_squeeze %dma_wait3A_149 : memref<1x128xi32, #tpu.memory_space<hbm>> -> memref<128xi32, #tpu.memory_space<hbm>>
      tpu.wait_dma2 semaphore(%arg14 : memref<!tpu.dma_semaphore, #tpu.memory_space<semaphore_mem>>) src(%dma_wait3A_150 : memref<128xi32, #tpu.memory_space<hbm>>) dst(%dma_wait3A_147 : memref<128xi32, #tpu.memory_space<vmem>>)
      %run_scoped3A = arith.constant 0 : i32
      "tpu.region"() ({
        %run_scoped3A_270 = tpu.sem_alloc : memref<!tpu.dma_semaphore, #tpu.memory_space<semaphore_mem>>
        %dma_start3A = arith.constant 0 : i32
        %dma_start3A_271 = tpu.memref_slice %arg6[%run_scoped3A, %dma_start3A] : memref<4x128xi32, #tpu.memory_space<vmem>> -> memref<1x128xi32, #tpu.memory_space<vmem>>
        %dma_start3A_272 = tpu.memref_squeeze %dma_start3A_271 : memref<1x128xi32, #tpu.memory_space<vmem>> -> memref<128xi32, #tpu.memory_space<vmem>>
        %dma_start3A_273 = arith.constant 0 : i32
        %dma_start3A_274 = arith.constant 0 : i32
        %dma_start3A_275 = tpu.memref_slice %arg9[%dma_start3A_273, %dma_start3A_274] : memref<10240x128xf32, #tpu.memory_space<vmem_shared>> -> memref<10240x128xf32, #tpu.memory_space<vmem_shared>>
        tpu.enqueue_indirect_dma source(%arg7 : memref<128x128xf32, #tpu.memory_space<vmem>>) target(%dma_start3A_275 : memref<10240x128xf32, #tpu.memory_space<vmem_shared>>) offsets(%dma_start3A_272 : memref<128xi32, #tpu.memory_space<vmem>>) semaphore(%run_scoped3A_270 : memref<!tpu.dma_semaphore, #tpu.memory_space<semaphore_mem>>) {add = true}
        %dma_wait3A_276 = arith.constant 0 : i32
        %dma_wait3A_277 = tpu.memref_slice %arg6[%run_scoped3A, %dma_wait3A_276] : memref<4x128xi32, #tpu.memory_space<vmem>> -> memref<1x128xi32, #tpu.memory_space<vmem>>
        %dma_wait3A_278 = tpu.memref_squeeze %dma_wait3A_277 : memref<1x128xi32, #tpu.memory_space<vmem>> -> memref<128xi32, #tpu.memory_space<vmem>>
        %dma_wait3A_279 = arith.constant 0 : i32
        %dma_wait3A_280 = arith.constant 0 : i32
        %dma_wait3A_281 = tpu.memref_slice %arg9[%dma_wait3A_279, %dma_wait3A_280] : memref<10240x128xf32, #tpu.memory_space<vmem_shared>> -> memref<10240x128xf32, #tpu.memory_space<vmem_shared>>
        tpu.wait_indirect_dma semaphore(%run_scoped3A_270 : memref<!tpu.dma_semaphore, #tpu.memory_space<semaphore_mem>>) src(%arg7 : memref<128x128xf32, #tpu.memory_space<vmem>>) dst(%dma_wait3A_281 : memref<10240x128xf32, #tpu.memory_space<vmem_shared>>)
        tpu.yield
      }) : () -> ()
      %add3A_151 = arith.constant 4 : i32
      %add3A_152 = arith.addi %add3A_130, %add3A_151 : i32
      %lt3A = arith.cmpi slt, %add3A_152, %max3A_8 : i32
      %convert_element_type3A_153 = arith.extui %lt3A : i1 to i32
      %cond3A_154 = arith.constant 0 : i32
      %cond3A_155 = arith.cmpi ne, %convert_element_type3A_153, %cond3A_154 : i32
      scf.if %cond3A_155 {
        %add3A_270 = arith.constant 4 : i32
        %add3A_271 = arith.addi %add3A_130, %add3A_270 : i32
        %add3A_272 = arith.addi %add3A, %add3A_271 : i32
        %mul3A_273 = arith.constant 128 : i32
        %mul3A_274 = arith.muli %add3A_272, %mul3A_273 : i32
        %dma_start3A = arith.constant 0 : i32
        %dma_start3A_275 = arith.constant 0 : i32
        %dma_start3A_276 = arith.constant 0 : i32
        %dma_start3A_277 = tpu.memref_slice %arg5[%dma_start3A_275, %dma_start3A_276] : memref<4x128xi32, #tpu.memory_space<vmem>> -> memref<1x128xi32, #tpu.memory_space<vmem>>
        %dma_start3A_278 = tpu.memref_squeeze %dma_start3A_277 : memref<1x128xi32, #tpu.memory_space<vmem>> -> memref<128xi32, #tpu.memory_space<vmem>>
        %dma_start3A_279 = tpu.memref_slice %arg3[%dma_start3A, %mul3A_274] : memref<2x320000xi32, #tpu.memory_space<hbm>> -> memref<1x128xi32, #tpu.memory_space<hbm>>
        %dma_start3A_280 = tpu.memref_squeeze %dma_start3A_279 : memref<1x128xi32, #tpu.memory_space<hbm>> -> memref<128xi32, #tpu.memory_space<hbm>>
        %dma_start3A_281 = arith.constant 0 : i32
        %dma_start3A_282 = tpu.memref_slice %arg5[%dma_start3A_275, %dma_start3A_281] : memref<4x128xi32, #tpu.memory_space<vmem>> -> memref<1x128xi32, #tpu.memory_space<vmem>>
        %dma_start3A_283 = tpu.memref_squeeze %dma_start3A_282 : memref<1x128xi32, #tpu.memory_space<vmem>> -> memref<128xi32, #tpu.memory_space<vmem>>
        %dma_start3A_284 = tpu.memref_slice %arg3[%dma_start3A, %mul3A_274] : memref<2x320000xi32, #tpu.memory_space<hbm>> -> memref<1x128xi32, #tpu.memory_space<hbm>>
        %dma_start3A_285 = tpu.memref_squeeze %dma_start3A_284 : memref<1x128xi32, #tpu.memory_space<hbm>> -> memref<128xi32, #tpu.memory_space<hbm>>
        tpu.enqueue_dma source(%dma_start3A_285 : memref<128xi32, #tpu.memory_space<hbm>>) target(%dma_start3A_283 : memref<128xi32, #tpu.memory_space<vmem>>) target_semaphore(%arg10 : memref<!tpu.dma_semaphore, #tpu.memory_space<semaphore_mem>>)
        %dma_start3A_286 = arith.constant 1 : i32
        %dma_start3A_287 = arith.constant 0 : i32
        %dma_start3A_288 = arith.constant 0 : i32
        %dma_start3A_289 = tpu.memref_slice %arg6[%dma_start3A_287, %dma_start3A_288] : memref<4x128xi32, #tpu.memory_space<vmem>> -> memref<1x128xi32, #tpu.memory_space<vmem>>
        %dma_start3A_290 = tpu.memref_squeeze %dma_start3A_289 : memref<1x128xi32, #tpu.memory_space<vmem>> -> memref<128xi32, #tpu.memory_space<vmem>>
        %dma_start3A_291 = tpu.memref_slice %arg3[%dma_start3A_286, %mul3A_274] : memref<2x320000xi32, #tpu.memory_space<hbm>> -> memref<1x128xi32, #tpu.memory_space<hbm>>
        %dma_start3A_292 = tpu.memref_squeeze %dma_start3A_291 : memref<1x128xi32, #tpu.memory_space<hbm>> -> memref<128xi32, #tpu.memory_space<hbm>>
        %dma_start3A_293 = arith.constant 0 : i32
        %dma_start3A_294 = tpu.memref_slice %arg6[%dma_start3A_287, %dma_start3A_293] : memref<4x128xi32, #tpu.memory_space<vmem>> -> memref<1x128xi32, #tpu.memory_space<vmem>>
        %dma_start3A_295 = tpu.memref_squeeze %dma_start3A_294 : memref<1x128xi32, #tpu.memory_space<vmem>> -> memref<128xi32, #tpu.memory_space<vmem>>
        %dma_start3A_296 = tpu.memref_slice %arg3[%dma_start3A_286, %mul3A_274] : memref<2x320000xi32, #tpu.memory_space<hbm>> -> memref<1x128xi32, #tpu.memory_space<hbm>>
        %dma_start3A_297 = tpu.memref_squeeze %dma_start3A_296 : memref<1x128xi32, #tpu.memory_space<hbm>> -> memref<128xi32, #tpu.memory_space<hbm>>
        tpu.enqueue_dma source(%dma_start3A_297 : memref<128xi32, #tpu.memory_space<hbm>>) target(%dma_start3A_295 : memref<128xi32, #tpu.memory_space<vmem>>) target_semaphore(%arg14 : memref<!tpu.dma_semaphore, #tpu.memory_space<semaphore_mem>>)
      } else {
      }
      %add3A_156 = arith.constant 2 : i32
      %add3A_157 = arith.addi %add3A_130, %add3A_156 : i32
      %lt3A_158 = arith.cmpi slt, %add3A_157, %max3A_8 : i32
      %convert_element_type3A_159 = arith.extui %lt3A_158 : i1 to i32
      %cond3A_160 = arith.constant 0 : i32
      %cond3A_161 = arith.cmpi ne, %convert_element_type3A_159, %cond3A_160 : i32
      scf.if %cond3A_161 {
        %dma_wait3A_270 = arith.constant 0 : i32
        %dma_wait3A_271 = arith.constant 2 : i32
        %dma_wait3A_272 = arith.constant 0 : i32
        %dma_wait3A_273 = tpu.memref_slice %arg5[%dma_wait3A_271, %dma_wait3A_272] : memref<4x128xi32, #tpu.memory_space<vmem>> -> memref<1x128xi32, #tpu.memory_space<vmem>>
        %dma_wait3A_274 = tpu.memref_squeeze %dma_wait3A_273 : memref<1x128xi32, #tpu.memory_space<vmem>> -> memref<128xi32, #tpu.memory_space<vmem>>
        %dma_wait3A_275 = arith.constant 0 : i32
        %dma_wait3A_276 = tpu.memref_slice %arg3[%dma_wait3A_270, %dma_wait3A_275] : memref<2x320000xi32, #tpu.memory_space<hbm>> -> memref<1x128xi32, #tpu.memory_space<hbm>>
        %dma_wait3A_277 = tpu.memref_squeeze %dma_wait3A_276 : memref<1x128xi32, #tpu.memory_space<hbm>> -> memref<128xi32, #tpu.memory_space<hbm>>
        %dma_wait3A_278 = arith.constant 0 : i32
        %dma_wait3A_279 = tpu.memref_slice %arg5[%dma_wait3A_271, %dma_wait3A_278] : memref<4x128xi32, #tpu.memory_space<vmem>> -> memref<1x128xi32, #tpu.memory_space<vmem>>
        %dma_wait3A_280 = tpu.memref_squeeze %dma_wait3A_279 : memref<1x128xi32, #tpu.memory_space<vmem>> -> memref<128xi32, #tpu.memory_space<vmem>>
        %dma_wait3A_281 = arith.constant 0 : i32
        %dma_wait3A_282 = tpu.memref_slice %arg3[%dma_wait3A_270, %dma_wait3A_281] : memref<2x320000xi32, #tpu.memory_space<hbm>> -> memref<1x128xi32, #tpu.memory_space<hbm>>
        %dma_wait3A_283 = tpu.memref_squeeze %dma_wait3A_282 : memref<1x128xi32, #tpu.memory_space<hbm>> -> memref<128xi32, #tpu.memory_space<hbm>>
        tpu.wait_dma2 semaphore(%arg12 : memref<!tpu.dma_semaphore, #tpu.memory_space<semaphore_mem>>) src(%dma_wait3A_283 : memref<128xi32, #tpu.memory_space<hbm>>) dst(%dma_wait3A_280 : memref<128xi32, #tpu.memory_space<vmem>>)
        %dma_start3A = arith.constant 2 : i32
        %dma_start3A_284 = arith.constant 0 : i32
        %dma_start3A_285 = tpu.memref_slice %arg5[%dma_start3A, %dma_start3A_284] : memref<4x128xi32, #tpu.memory_space<vmem>> -> memref<1x128xi32, #tpu.memory_space<vmem>>
        %dma_start3A_286 = tpu.memref_squeeze %dma_start3A_285 : memref<1x128xi32, #tpu.memory_space<vmem>> -> memref<128xi32, #tpu.memory_space<vmem>>
        %dma_start3A_287 = arith.constant 0 : i32
        %dma_start3A_288 = arith.constant 0 : i32
        %dma_start3A_289 = tpu.memref_slice %arg2[%dma_start3A_287, %dma_start3A_288] : memref<10000x128xf32, #tpu.memory_space<hbm>> -> memref<10000x128xf32, #tpu.memory_space<hbm>>
        tpu.enqueue_indirect_dma source(%dma_start3A_289 : memref<10000x128xf32, #tpu.memory_space<hbm>>) target(%arg7 : memref<128x128xf32, #tpu.memory_space<vmem>>) offsets(%dma_start3A_286 : memref<128xi32, #tpu.memory_space<vmem>>) semaphore(%arg18 : memref<!tpu.dma_semaphore, #tpu.memory_space<semaphore_mem>>)
      } else {
      }
      %add3A_162 = arith.constant 1 : i32
      %add3A_163 = arith.addi %mul3A_128, %add3A_162 : i32
      %dma_wait3A_164 = arith.constant 1 : i32
      %dma_wait3A_165 = arith.constant 0 : i32
      %dma_wait3A_166 = tpu.memref_slice %arg5[%dma_wait3A_164, %dma_wait3A_165] : memref<4x128xi32, #tpu.memory_space<vmem>> -> memref<1x128xi32, #tpu.memory_space<vmem>>
      %dma_wait3A_167 = tpu.memref_squeeze %dma_wait3A_166 : memref<1x128xi32, #tpu.memory_space<vmem>> -> memref<128xi32, #tpu.memory_space<vmem>>
      %dma_wait3A_168 = arith.constant 0 : i32
      %dma_wait3A_169 = arith.constant 0 : i32
      %dma_wait3A_170 = tpu.memref_slice %arg2[%dma_wait3A_168, %dma_wait3A_169] : memref<10000x128xf32, #tpu.memory_space<hbm>> -> memref<10000x128xf32, #tpu.memory_space<hbm>>
      tpu.wait_indirect_dma semaphore(%arg19 : memref<!tpu.dma_semaphore, #tpu.memory_space<semaphore_mem>>) src(%dma_wait3A_170 : memref<10000x128xf32, #tpu.memory_space<hbm>>) dst(%arg8 : memref<128x128xf32, #tpu.memory_space<vmem>>)
      %dma_wait3A_171 = arith.constant 0 : i32
      %dma_wait3A_172 = arith.constant 1 : i32
      %dma_wait3A_173 = arith.constant 0 : i32
      %dma_wait3A_174 = tpu.memref_slice %arg5[%dma_wait3A_172, %dma_wait3A_173] : memref<4x128xi32, #tpu.memory_space<vmem>> -> memref<1x128xi32, #tpu.memory_space<vmem>>
      %dma_wait3A_175 = tpu.memref_squeeze %dma_wait3A_174 : memref<1x128xi32, #tpu.memory_space<vmem>> -> memref<128xi32, #tpu.memory_space<vmem>>
      %dma_wait3A_176 = arith.constant 0 : i32
      %dma_wait3A_177 = tpu.memref_slice %arg3[%dma_wait3A_171, %dma_wait3A_176] : memref<2x320000xi32, #tpu.memory_space<hbm>> -> memref<1x128xi32, #tpu.memory_space<hbm>>
      %dma_wait3A_178 = tpu.memref_squeeze %dma_wait3A_177 : memref<1x128xi32, #tpu.memory_space<hbm>> -> memref<128xi32, #tpu.memory_space<hbm>>
      %dma_wait3A_179 = arith.constant 0 : i32
      %dma_wait3A_180 = tpu.memref_slice %arg5[%dma_wait3A_172, %dma_wait3A_179] : memref<4x128xi32, #tpu.memory_space<vmem>> -> memref<1x128xi32, #tpu.memory_space<vmem>>
      %dma_wait3A_181 = tpu.memref_squeeze %dma_wait3A_180 : memref<1x128xi32, #tpu.memory_space<vmem>> -> memref<128xi32, #tpu.memory_space<vmem>>
      %dma_wait3A_182 = arith.constant 0 : i32
      %dma_wait3A_183 = tpu.memref_slice %arg3[%dma_wait3A_171, %dma_wait3A_182] : memref<2x320000xi32, #tpu.memory_space<hbm>> -> memref<1x128xi32, #tpu.memory_space<hbm>>
      %dma_wait3A_184 = tpu.memref_squeeze %dma_wait3A_183 : memref<1x128xi32, #tpu.memory_space<hbm>> -> memref<128xi32, #tpu.memory_space<hbm>>
      tpu.wait_dma2 semaphore(%arg15 : memref<!tpu.dma_semaphore, #tpu.memory_space<semaphore_mem>>) src(%dma_wait3A_184 : memref<128xi32, #tpu.memory_space<hbm>>) dst(%dma_wait3A_181 : memref<128xi32, #tpu.memory_space<vmem>>)
      %run_scoped3A_185 = arith.constant 1 : i32
      "tpu.region"() ({
        %run_scoped3A_270 = tpu.sem_alloc : memref<!tpu.dma_semaphore, #tpu.memory_space<semaphore_mem>>
        %dma_start3A = arith.constant 0 : i32
        %dma_start3A_271 = tpu.memref_slice %arg6[%run_scoped3A_185, %dma_start3A] : memref<4x128xi32, #tpu.memory_space<vmem>> -> memref<1x128xi32, #tpu.memory_space<vmem>>
        %dma_start3A_272 = tpu.memref_squeeze %dma_start3A_271 : memref<1x128xi32, #tpu.memory_space<vmem>> -> memref<128xi32, #tpu.memory_space<vmem>>
        %dma_start3A_273 = arith.constant 0 : i32
        %dma_start3A_274 = arith.constant 0 : i32
        %dma_start3A_275 = tpu.memref_slice %arg9[%dma_start3A_273, %dma_start3A_274] : memref<10240x128xf32, #tpu.memory_space<vmem_shared>> -> memref<10240x128xf32, #tpu.memory_space<vmem_shared>>
        tpu.enqueue_indirect_dma source(%arg8 : memref<128x128xf32, #tpu.memory_space<vmem>>) target(%dma_start3A_275 : memref<10240x128xf32, #tpu.memory_space<vmem_shared>>) offsets(%dma_start3A_272 : memref<128xi32, #tpu.memory_space<vmem>>) semaphore(%run_scoped3A_270 : memref<!tpu.dma_semaphore, #tpu.memory_space<semaphore_mem>>) {add = true}
        %dma_wait3A_276 = arith.constant 0 : i32
        %dma_wait3A_277 = tpu.memref_slice %arg6[%run_scoped3A_185, %dma_wait3A_276] : memref<4x128xi32, #tpu.memory_space<vmem>> -> memref<1x128xi32, #tpu.memory_space<vmem>>
        %dma_wait3A_278 = tpu.memref_squeeze %dma_wait3A_277 : memref<1x128xi32, #tpu.memory_space<vmem>> -> memref<128xi32, #tpu.memory_space<vmem>>
        %dma_wait3A_279 = arith.constant 0 : i32
        %dma_wait3A_280 = arith.constant 0 : i32
        %dma_wait3A_281 = tpu.memref_slice %arg9[%dma_wait3A_279, %dma_wait3A_280] : memref<10240x128xf32, #tpu.memory_space<vmem_shared>> -> memref<10240x128xf32, #tpu.memory_space<vmem_shared>>
        tpu.wait_indirect_dma semaphore(%run_scoped3A_270 : memref<!tpu.dma_semaphore, #tpu.memory_space<semaphore_mem>>) src(%arg8 : memref<128x128xf32, #tpu.memory_space<vmem>>) dst(%dma_wait3A_281 : memref<10240x128xf32, #tpu.memory_space<vmem_shared>>)
        tpu.yield
      }) : () -> ()
      %add3A_186 = arith.constant 4 : i32
      %add3A_187 = arith.addi %add3A_163, %add3A_186 : i32
      %lt3A_188 = arith.cmpi slt, %add3A_187, %max3A_8 : i32
      %convert_element_type3A_189 = arith.extui %lt3A_188 : i1 to i32
      %cond3A_190 = arith.constant 0 : i32
      %cond3A_191 = arith.cmpi ne, %convert_element_type3A_189, %cond3A_190 : i32
      scf.if %cond3A_191 {
        %add3A_270 = arith.constant 4 : i32
        %add3A_271 = arith.addi %add3A_163, %add3A_270 : i32
        %add3A_272 = arith.addi %add3A, %add3A_271 : i32
        %mul3A_273 = arith.constant 128 : i32
        %mul3A_274 = arith.muli %add3A_272, %mul3A_273 : i32
        %dma_start3A = arith.constant 0 : i32
        %dma_start3A_275 = arith.constant 1 : i32
        %dma_start3A_276 = arith.constant 0 : i32
        %dma_start3A_277 = tpu.memref_slice %arg5[%dma_start3A_275, %dma_start3A_276] : memref<4x128xi32, #tpu.memory_space<vmem>> -> memref<1x128xi32, #tpu.memory_space<vmem>>
        %dma_start3A_278 = tpu.memref_squeeze %dma_start3A_277 : memref<1x128xi32, #tpu.memory_space<vmem>> -> memref<128xi32, #tpu.memory_space<vmem>>
        %dma_start3A_279 = tpu.memref_slice %arg3[%dma_start3A, %mul3A_274] : memref<2x320000xi32, #tpu.memory_space<hbm>> -> memref<1x128xi32, #tpu.memory_space<hbm>>
        %dma_start3A_280 = tpu.memref_squeeze %dma_start3A_279 : memref<1x128xi32, #tpu.memory_space<hbm>> -> memref<128xi32, #tpu.memory_space<hbm>>
        %dma_start3A_281 = arith.constant 0 : i32
        %dma_start3A_282 = tpu.memref_slice %arg5[%dma_start3A_275, %dma_start3A_281] : memref<4x128xi32, #tpu.memory_space<vmem>> -> memref<1x128xi32, #tpu.memory_space<vmem>>
        %dma_start3A_283 = tpu.memref_squeeze %dma_start3A_282 : memref<1x128xi32, #tpu.memory_space<vmem>> -> memref<128xi32, #tpu.memory_space<vmem>>
        %dma_start3A_284 = tpu.memref_slice %arg3[%dma_start3A, %mul3A_274] : memref<2x320000xi32, #tpu.memory_space<hbm>> -> memref<1x128xi32, #tpu.memory_space<hbm>>
        %dma_start3A_285 = tpu.memref_squeeze %dma_start3A_284 : memref<1x128xi32, #tpu.memory_space<hbm>> -> memref<128xi32, #tpu.memory_space<hbm>>
        tpu.enqueue_dma source(%dma_start3A_285 : memref<128xi32, #tpu.memory_space<hbm>>) target(%dma_start3A_283 : memref<128xi32, #tpu.memory_space<vmem>>) target_semaphore(%arg11 : memref<!tpu.dma_semaphore, #tpu.memory_space<semaphore_mem>>)
        %dma_start3A_286 = arith.constant 1 : i32
        %dma_start3A_287 = arith.constant 1 : i32
        %dma_start3A_288 = arith.constant 0 : i32
        %dma_start3A_289 = tpu.memref_slice %arg6[%dma_start3A_287, %dma_start3A_288] : memref<4x128xi32, #tpu.memory_space<vmem>> -> memref<1x128xi32, #tpu.memory_space<vmem>>
        %dma_start3A_290 = tpu.memref_squeeze %dma_start3A_289 : memref<1x128xi32, #tpu.memory_space<vmem>> -> memref<128xi32, #tpu.memory_space<vmem>>
        %dma_start3A_291 = tpu.memref_slice %arg3[%dma_start3A_286, %mul3A_274] : memref<2x320000xi32, #tpu.memory_space<hbm>> -> memref<1x128xi32, #tpu.memory_space<hbm>>
        %dma_start3A_292 = tpu.memref_squeeze %dma_start3A_291 : memref<1x128xi32, #tpu.memory_space<hbm>> -> memref<128xi32, #tpu.memory_space<hbm>>
        %dma_start3A_293 = arith.constant 0 : i32
        %dma_start3A_294 = tpu.memref_slice %arg6[%dma_start3A_287, %dma_start3A_293] : memref<4x128xi32, #tpu.memory_space<vmem>> -> memref<1x128xi32, #tpu.memory_space<vmem>>
        %dma_start3A_295 = tpu.memref_squeeze %dma_start3A_294 : memref<1x128xi32, #tpu.memory_space<vmem>> -> memref<128xi32, #tpu.memory_space<vmem>>
        %dma_start3A_296 = tpu.memref_slice %arg3[%dma_start3A_286, %mul3A_274] : memref<2x320000xi32, #tpu.memory_space<hbm>> -> memref<1x128xi32, #tpu.memory_space<hbm>>
        %dma_start3A_297 = tpu.memref_squeeze %dma_start3A_296 : memref<1x128xi32, #tpu.memory_space<hbm>> -> memref<128xi32, #tpu.memory_space<hbm>>
        tpu.enqueue_dma source(%dma_start3A_297 : memref<128xi32, #tpu.memory_space<hbm>>) target(%dma_start3A_295 : memref<128xi32, #tpu.memory_space<vmem>>) target_semaphore(%arg15 : memref<!tpu.dma_semaphore, #tpu.memory_space<semaphore_mem>>)
      } else {
      }
      %add3A_192 = arith.constant 2 : i32
      %add3A_193 = arith.addi %add3A_163, %add3A_192 : i32
      %lt3A_194 = arith.cmpi slt, %add3A_193, %max3A_8 : i32
      %convert_element_type3A_195 = arith.extui %lt3A_194 : i1 to i32
      %cond3A_196 = arith.constant 0 : i32
      %cond3A_197 = arith.cmpi ne, %convert_element_type3A_195, %cond3A_196 : i32
      scf.if %cond3A_197 {
        %dma_wait3A_270 = arith.constant 0 : i32
        %dma_wait3A_271 = arith.constant 3 : i32
        %dma_wait3A_272 = arith.constant 0 : i32
        %dma_wait3A_273 = tpu.memref_slice %arg5[%dma_wait3A_271, %dma_wait3A_272] : memref<4x128xi32, #tpu.memory_space<vmem>> -> memref<1x128xi32, #tpu.memory_space<vmem>>
        %dma_wait3A_274 = tpu.memref_squeeze %dma_wait3A_273 : memref<1x128xi32, #tpu.memory_space<vmem>> -> memref<128xi32, #tpu.memory_space<vmem>>
        %dma_wait3A_275 = arith.constant 0 : i32
        %dma_wait3A_276 = tpu.memref_slice %arg3[%dma_wait3A_270, %dma_wait3A_275] : memref<2x320000xi32, #tpu.memory_space<hbm>> -> memref<1x128xi32, #tpu.memory_space<hbm>>
        %dma_wait3A_277 = tpu.memref_squeeze %dma_wait3A_276 : memref<1x128xi32, #tpu.memory_space<hbm>> -> memref<128xi32, #tpu.memory_space<hbm>>
        %dma_wait3A_278 = arith.constant 0 : i32
        %dma_wait3A_279 = tpu.memref_slice %arg5[%dma_wait3A_271, %dma_wait3A_278] : memref<4x128xi32, #tpu.memory_space<vmem>> -> memref<1x128xi32, #tpu.memory_space<vmem>>
        %dma_wait3A_280 = tpu.memref_squeeze %dma_wait3A_279 : memref<1x128xi32, #tpu.memory_space<vmem>> -> memref<128xi32, #tpu.memory_space<vmem>>
        %dma_wait3A_281 = arith.constant 0 : i32
        %dma_wait3A_282 = tpu.memref_slice %arg3[%dma_wait3A_270, %dma_wait3A_281] : memref<2x320000xi32, #tpu.memory_space<hbm>> -> memref<1x128xi32, #tpu.memory_space<hbm>>
        %dma_wait3A_283 = tpu.memref_squeeze %dma_wait3A_282 : memref<1x128xi32, #tpu.memory_space<hbm>> -> memref<128xi32, #tpu.memory_space<hbm>>
        tpu.wait_dma2 semaphore(%arg13 : memref<!tpu.dma_semaphore, #tpu.memory_space<semaphore_mem>>) src(%dma_wait3A_283 : memref<128xi32, #tpu.memory_space<hbm>>) dst(%dma_wait3A_280 : memref<128xi32, #tpu.memory_space<vmem>>)
        %dma_start3A = arith.constant 3 : i32
        %dma_start3A_284 = arith.constant 0 : i32
        %dma_start3A_285 = tpu.memref_slice %arg5[%dma_start3A, %dma_start3A_284] : memref<4x128xi32, #tpu.memory_space<vmem>> -> memref<1x128xi32, #tpu.memory_space<vmem>>
        %dma_start3A_286 = tpu.memref_squeeze %dma_start3A_285 : memref<1x128xi32, #tpu.memory_space<vmem>> -> memref<128xi32, #tpu.memory_space<vmem>>
        %dma_start3A_287 = arith.constant 0 : i32
        %dma_start3A_288 = arith.constant 0 : i32
        %dma_start3A_289 = tpu.memref_slice %arg2[%dma_start3A_287, %dma_start3A_288] : memref<10000x128xf32, #tpu.memory_space<hbm>> -> memref<10000x128xf32, #tpu.memory_space<hbm>>
        tpu.enqueue_indirect_dma source(%dma_start3A_289 : memref<10000x128xf32, #tpu.memory_space<hbm>>) target(%arg8 : memref<128x128xf32, #tpu.memory_space<vmem>>) offsets(%dma_start3A_286 : memref<128xi32, #tpu.memory_space<vmem>>) semaphore(%arg19 : memref<!tpu.dma_semaphore, #tpu.memory_space<semaphore_mem>>)
      } else {
      }
      %add3A_198 = arith.constant 2 : i32
      %add3A_199 = arith.addi %mul3A_128, %add3A_198 : i32
      %dma_wait3A_200 = arith.constant 2 : i32
      %dma_wait3A_201 = arith.constant 0 : i32
      %dma_wait3A_202 = tpu.memref_slice %arg5[%dma_wait3A_200, %dma_wait3A_201] : memref<4x128xi32, #tpu.memory_space<vmem>> -> memref<1x128xi32, #tpu.memory_space<vmem>>
      %dma_wait3A_203 = tpu.memref_squeeze %dma_wait3A_202 : memref<1x128xi32, #tpu.memory_space<vmem>> -> memref<128xi32, #tpu.memory_space<vmem>>
      %dma_wait3A_204 = arith.constant 0 : i32
      %dma_wait3A_205 = arith.constant 0 : i32
      %dma_wait3A_206 = tpu.memref_slice %arg2[%dma_wait3A_204, %dma_wait3A_205] : memref<10000x128xf32, #tpu.memory_space<hbm>> -> memref<10000x128xf32, #tpu.memory_space<hbm>>
      tpu.wait_indirect_dma semaphore(%arg18 : memref<!tpu.dma_semaphore, #tpu.memory_space<semaphore_mem>>) src(%dma_wait3A_206 : memref<10000x128xf32, #tpu.memory_space<hbm>>) dst(%arg7 : memref<128x128xf32, #tpu.memory_space<vmem>>)
      %dma_wait3A_207 = arith.constant 0 : i32
      %dma_wait3A_208 = arith.constant 2 : i32
      %dma_wait3A_209 = arith.constant 0 : i32
      %dma_wait3A_210 = tpu.memref_slice %arg5[%dma_wait3A_208, %dma_wait3A_209] : memref<4x128xi32, #tpu.memory_space<vmem>> -> memref<1x128xi32, #tpu.memory_space<vmem>>
      %dma_wait3A_211 = tpu.memref_squeeze %dma_wait3A_210 : memref<1x128xi32, #tpu.memory_space<vmem>> -> memref<128xi32, #tpu.memory_space<vmem>>
      %dma_wait3A_212 = arith.constant 0 : i32
      %dma_wait3A_213 = tpu.memref_slice %arg3[%dma_wait3A_207, %dma_wait3A_212] : memref<2x320000xi32, #tpu.memory_space<hbm>> -> memref<1x128xi32, #tpu.memory_space<hbm>>
      %dma_wait3A_214 = tpu.memref_squeeze %dma_wait3A_213 : memref<1x128xi32, #tpu.memory_space<hbm>> -> memref<128xi32, #tpu.memory_space<hbm>>
      %dma_wait3A_215 = arith.constant 0 : i32
      %dma_wait3A_216 = tpu.memref_slice %arg5[%dma_wait3A_208, %dma_wait3A_215] : memref<4x128xi32, #tpu.memory_space<vmem>> -> memref<1x128xi32, #tpu.memory_space<vmem>>
      %dma_wait3A_217 = tpu.memref_squeeze %dma_wait3A_216 : memref<1x128xi32, #tpu.memory_space<vmem>> -> memref<128xi32, #tpu.memory_space<vmem>>
      %dma_wait3A_218 = arith.constant 0 : i32
      %dma_wait3A_219 = tpu.memref_slice %arg3[%dma_wait3A_207, %dma_wait3A_218] : memref<2x320000xi32, #tpu.memory_space<hbm>> -> memref<1x128xi32, #tpu.memory_space<hbm>>
      %dma_wait3A_220 = tpu.memref_squeeze %dma_wait3A_219 : memref<1x128xi32, #tpu.memory_space<hbm>> -> memref<128xi32, #tpu.memory_space<hbm>>
      tpu.wait_dma2 semaphore(%arg16 : memref<!tpu.dma_semaphore, #tpu.memory_space<semaphore_mem>>) src(%dma_wait3A_220 : memref<128xi32, #tpu.memory_space<hbm>>) dst(%dma_wait3A_217 : memref<128xi32, #tpu.memory_space<vmem>>)
      %run_scoped3A_221 = arith.constant 2 : i32
      "tpu.region"() ({
        %run_scoped3A_270 = tpu.sem_alloc : memref<!tpu.dma_semaphore, #tpu.memory_space<semaphore_mem>>
        %dma_start3A = arith.constant 0 : i32
        %dma_start3A_271 = tpu.memref_slice %arg6[%run_scoped3A_221, %dma_start3A] : memref<4x128xi32, #tpu.memory_space<vmem>> -> memref<1x128xi32, #tpu.memory_space<vmem>>
        %dma_start3A_272 = tpu.memref_squeeze %dma_start3A_271 : memref<1x128xi32, #tpu.memory_space<vmem>> -> memref<128xi32, #tpu.memory_space<vmem>>
        %dma_start3A_273 = arith.constant 0 : i32
        %dma_start3A_274 = arith.constant 0 : i32
        %dma_start3A_275 = tpu.memref_slice %arg9[%dma_start3A_273, %dma_start3A_274] : memref<10240x128xf32, #tpu.memory_space<vmem_shared>> -> memref<10240x128xf32, #tpu.memory_space<vmem_shared>>
        tpu.enqueue_indirect_dma source(%arg7 : memref<128x128xf32, #tpu.memory_space<vmem>>) target(%dma_start3A_275 : memref<10240x128xf32, #tpu.memory_space<vmem_shared>>) offsets(%dma_start3A_272 : memref<128xi32, #tpu.memory_space<vmem>>) semaphore(%run_scoped3A_270 : memref<!tpu.dma_semaphore, #tpu.memory_space<semaphore_mem>>) {add = true}
        %dma_wait3A_276 = arith.constant 0 : i32
        %dma_wait3A_277 = tpu.memref_slice %arg6[%run_scoped3A_221, %dma_wait3A_276] : memref<4x128xi32, #tpu.memory_space<vmem>> -> memref<1x128xi32, #tpu.memory_space<vmem>>
        %dma_wait3A_278 = tpu.memref_squeeze %dma_wait3A_277 : memref<1x128xi32, #tpu.memory_space<vmem>> -> memref<128xi32, #tpu.memory_space<vmem>>
        %dma_wait3A_279 = arith.constant 0 : i32
        %dma_wait3A_280 = arith.constant 0 : i32
        %dma_wait3A_281 = tpu.memref_slice %arg9[%dma_wait3A_279, %dma_wait3A_280] : memref<10240x128xf32, #tpu.memory_space<vmem_shared>> -> memref<10240x128xf32, #tpu.memory_space<vmem_shared>>
        tpu.wait_indirect_dma semaphore(%run_scoped3A_270 : memref<!tpu.dma_semaphore, #tpu.memory_space<semaphore_mem>>) src(%arg7 : memref<128x128xf32, #tpu.memory_space<vmem>>) dst(%dma_wait3A_281 : memref<10240x128xf32, #tpu.memory_space<vmem_shared>>)
        tpu.yield
      }) : () -> ()
      %add3A_222 = arith.constant 4 : i32
      %add3A_223 = arith.addi %add3A_199, %add3A_222 : i32
      %lt3A_224 = arith.cmpi slt, %add3A_223, %max3A_8 : i32
      %convert_element_type3A_225 = arith.extui %lt3A_224 : i1 to i32
      %cond3A_226 = arith.constant 0 : i32
      %cond3A_227 = arith.cmpi ne, %convert_element_type3A_225, %cond3A_226 : i32
      scf.if %cond3A_227 {
        %add3A_270 = arith.constant 4 : i32
        %add3A_271 = arith.addi %add3A_199, %add3A_270 : i32
        %add3A_272 = arith.addi %add3A, %add3A_271 : i32
        %mul3A_273 = arith.constant 128 : i32
        %mul3A_274 = arith.muli %add3A_272, %mul3A_273 : i32
        %dma_start3A = arith.constant 0 : i32
        %dma_start3A_275 = arith.constant 2 : i32
        %dma_start3A_276 = arith.constant 0 : i32
        %dma_start3A_277 = tpu.memref_slice %arg5[%dma_start3A_275, %dma_start3A_276] : memref<4x128xi32, #tpu.memory_space<vmem>> -> memref<1x128xi32, #tpu.memory_space<vmem>>
        %dma_start3A_278 = tpu.memref_squeeze %dma_start3A_277 : memref<1x128xi32, #tpu.memory_space<vmem>> -> memref<128xi32, #tpu.memory_space<vmem>>
        %dma_start3A_279 = tpu.memref_slice %arg3[%dma_start3A, %mul3A_274] : memref<2x320000xi32, #tpu.memory_space<hbm>> -> memref<1x128xi32, #tpu.memory_space<hbm>>
        %dma_start3A_280 = tpu.memref_squeeze %dma_start3A_279 : memref<1x128xi32, #tpu.memory_space<hbm>> -> memref<128xi32, #tpu.memory_space<hbm>>
        %dma_start3A_281 = arith.constant 0 : i32
        %dma_start3A_282 = tpu.memref_slice %arg5[%dma_start3A_275, %dma_start3A_281] : memref<4x128xi32, #tpu.memory_space<vmem>> -> memref<1x128xi32, #tpu.memory_space<vmem>>
        %dma_start3A_283 = tpu.memref_squeeze %dma_start3A_282 : memref<1x128xi32, #tpu.memory_space<vmem>> -> memref<128xi32, #tpu.memory_space<vmem>>
        %dma_start3A_284 = tpu.memref_slice %arg3[%dma_start3A, %mul3A_274] : memref<2x320000xi32, #tpu.memory_space<hbm>> -> memref<1x128xi32, #tpu.memory_space<hbm>>
        %dma_start3A_285 = tpu.memref_squeeze %dma_start3A_284 : memref<1x128xi32, #tpu.memory_space<hbm>> -> memref<128xi32, #tpu.memory_space<hbm>>
        tpu.enqueue_dma source(%dma_start3A_285 : memref<128xi32, #tpu.memory_space<hbm>>) target(%dma_start3A_283 : memref<128xi32, #tpu.memory_space<vmem>>) target_semaphore(%arg12 : memref<!tpu.dma_semaphore, #tpu.memory_space<semaphore_mem>>)
        %dma_start3A_286 = arith.constant 1 : i32
        %dma_start3A_287 = arith.constant 2 : i32
        %dma_start3A_288 = arith.constant 0 : i32
        %dma_start3A_289 = tpu.memref_slice %arg6[%dma_start3A_287, %dma_start3A_288] : memref<4x128xi32, #tpu.memory_space<vmem>> -> memref<1x128xi32, #tpu.memory_space<vmem>>
        %dma_start3A_290 = tpu.memref_squeeze %dma_start3A_289 : memref<1x128xi32, #tpu.memory_space<vmem>> -> memref<128xi32, #tpu.memory_space<vmem>>
        %dma_start3A_291 = tpu.memref_slice %arg3[%dma_start3A_286, %mul3A_274] : memref<2x320000xi32, #tpu.memory_space<hbm>> -> memref<1x128xi32, #tpu.memory_space<hbm>>
        %dma_start3A_292 = tpu.memref_squeeze %dma_start3A_291 : memref<1x128xi32, #tpu.memory_space<hbm>> -> memref<128xi32, #tpu.memory_space<hbm>>
        %dma_start3A_293 = arith.constant 0 : i32
        %dma_start3A_294 = tpu.memref_slice %arg6[%dma_start3A_287, %dma_start3A_293] : memref<4x128xi32, #tpu.memory_space<vmem>> -> memref<1x128xi32, #tpu.memory_space<vmem>>
        %dma_start3A_295 = tpu.memref_squeeze %dma_start3A_294 : memref<1x128xi32, #tpu.memory_space<vmem>> -> memref<128xi32, #tpu.memory_space<vmem>>
        %dma_start3A_296 = tpu.memref_slice %arg3[%dma_start3A_286, %mul3A_274] : memref<2x320000xi32, #tpu.memory_space<hbm>> -> memref<1x128xi32, #tpu.memory_space<hbm>>
        %dma_start3A_297 = tpu.memref_squeeze %dma_start3A_296 : memref<1x128xi32, #tpu.memory_space<hbm>> -> memref<128xi32, #tpu.memory_space<hbm>>
        tpu.enqueue_dma source(%dma_start3A_297 : memref<128xi32, #tpu.memory_space<hbm>>) target(%dma_start3A_295 : memref<128xi32, #tpu.memory_space<vmem>>) target_semaphore(%arg16 : memref<!tpu.dma_semaphore, #tpu.memory_space<semaphore_mem>>)
      } else {
      }
      %add3A_228 = arith.constant 2 : i32
      %add3A_229 = arith.addi %add3A_199, %add3A_228 : i32
      %lt3A_230 = arith.cmpi slt, %add3A_229, %max3A_8 : i32
      %convert_element_type3A_231 = arith.extui %lt3A_230 : i1 to i32
      %cond3A_232 = arith.constant 0 : i32
      %cond3A_233 = arith.cmpi ne, %convert_element_type3A_231, %cond3A_232 : i32
      scf.if %cond3A_233 {
        %dma_wait3A_270 = arith.constant 0 : i32
        %dma_wait3A_271 = arith.constant 0 : i32
        %dma_wait3A_272 = arith.constant 0 : i32
        %dma_wait3A_273 = tpu.memref_slice %arg5[%dma_wait3A_271, %dma_wait3A_272] : memref<4x128xi32, #tpu.memory_space<vmem>> -> memref<1x128xi32, #tpu.memory_space<vmem>>
        %dma_wait3A_274 = tpu.memref_squeeze %dma_wait3A_273 : memref<1x128xi32, #tpu.memory_space<vmem>> -> memref<128xi32, #tpu.memory_space<vmem>>
        %dma_wait3A_275 = arith.constant 0 : i32
        %dma_wait3A_276 = tpu.memref_slice %arg3[%dma_wait3A_270, %dma_wait3A_275] : memref<2x320000xi32, #tpu.memory_space<hbm>> -> memref<1x128xi32, #tpu.memory_space<hbm>>
        %dma_wait3A_277 = tpu.memref_squeeze %dma_wait3A_276 : memref<1x128xi32, #tpu.memory_space<hbm>> -> memref<128xi32, #tpu.memory_space<hbm>>
        %dma_wait3A_278 = arith.constant 0 : i32
        %dma_wait3A_279 = tpu.memref_slice %arg5[%dma_wait3A_271, %dma_wait3A_278] : memref<4x128xi32, #tpu.memory_space<vmem>> -> memref<1x128xi32, #tpu.memory_space<vmem>>
        %dma_wait3A_280 = tpu.memref_squeeze %dma_wait3A_279 : memref<1x128xi32, #tpu.memory_space<vmem>> -> memref<128xi32, #tpu.memory_space<vmem>>
        %dma_wait3A_281 = arith.constant 0 : i32
        %dma_wait3A_282 = tpu.memref_slice %arg3[%dma_wait3A_270, %dma_wait3A_281] : memref<2x320000xi32, #tpu.memory_space<hbm>> -> memref<1x128xi32, #tpu.memory_space<hbm>>
        %dma_wait3A_283 = tpu.memref_squeeze %dma_wait3A_282 : memref<1x128xi32, #tpu.memory_space<hbm>> -> memref<128xi32, #tpu.memory_space<hbm>>
        tpu.wait_dma2 semaphore(%arg10 : memref<!tpu.dma_semaphore, #tpu.memory_space<semaphore_mem>>) src(%dma_wait3A_283 : memref<128xi32, #tpu.memory_space<hbm>>) dst(%dma_wait3A_280 : memref<128xi32, #tpu.memory_space<vmem>>)
        %dma_start3A = arith.constant 0 : i32
        %dma_start3A_284 = arith.constant 0 : i32
        %dma_start3A_285 = tpu.memref_slice %arg5[%dma_start3A, %dma_start3A_284] : memref<4x128xi32, #tpu.memory_space<vmem>> -> memref<1x128xi32, #tpu.memory_space<vmem>>
        %dma_start3A_286 = tpu.memref_squeeze %dma_start3A_285 : memref<1x128xi32, #tpu.memory_space<vmem>> -> memref<128xi32, #tpu.memory_space<vmem>>
        %dma_start3A_287 = arith.constant 0 : i32
        %dma_start3A_288 = arith.constant 0 : i32
        %dma_start3A_289 = tpu.memref_slice %arg2[%dma_start3A_287, %dma_start3A_288] : memref<10000x128xf32, #tpu.memory_space<hbm>> -> memref<10000x128xf32, #tpu.memory_space<hbm>>
        tpu.enqueue_indirect_dma source(%dma_start3A_289 : memref<10000x128xf32, #tpu.memory_space<hbm>>) target(%arg7 : memref<128x128xf32, #tpu.memory_space<vmem>>) offsets(%dma_start3A_286 : memref<128xi32, #tpu.memory_space<vmem>>) semaphore(%arg18 : memref<!tpu.dma_semaphore, #tpu.memory_space<semaphore_mem>>)
      } else {
      }
      %add3A_234 = arith.constant 3 : i32
      %add3A_235 = arith.addi %mul3A_128, %add3A_234 : i32
      %dma_wait3A_236 = arith.constant 3 : i32
      %dma_wait3A_237 = arith.constant 0 : i32
      %dma_wait3A_238 = tpu.memref_slice %arg5[%dma_wait3A_236, %dma_wait3A_237] : memref<4x128xi32, #tpu.memory_space<vmem>> -> memref<1x128xi32, #tpu.memory_space<vmem>>
      %dma_wait3A_239 = tpu.memref_squeeze %dma_wait3A_238 : memref<1x128xi32, #tpu.memory_space<vmem>> -> memref<128xi32, #tpu.memory_space<vmem>>
      %dma_wait3A_240 = arith.constant 0 : i32
      %dma_wait3A_241 = arith.constant 0 : i32
      %dma_wait3A_242 = tpu.memref_slice %arg2[%dma_wait3A_240, %dma_wait3A_241] : memref<10000x128xf32, #tpu.memory_space<hbm>> -> memref<10000x128xf32, #tpu.memory_space<hbm>>
      tpu.wait_indirect_dma semaphore(%arg19 : memref<!tpu.dma_semaphore, #tpu.memory_space<semaphore_mem>>) src(%dma_wait3A_242 : memref<10000x128xf32, #tpu.memory_space<hbm>>) dst(%arg8 : memref<128x128xf32, #tpu.memory_space<vmem>>)
      %dma_wait3A_243 = arith.constant 0 : i32
      %dma_wait3A_244 = arith.constant 3 : i32
      %dma_wait3A_245 = arith.constant 0 : i32
      %dma_wait3A_246 = tpu.memref_slice %arg5[%dma_wait3A_244, %dma_wait3A_245] : memref<4x128xi32, #tpu.memory_space<vmem>> -> memref<1x128xi32, #tpu.memory_space<vmem>>
      %dma_wait3A_247 = tpu.memref_squeeze %dma_wait3A_246 : memref<1x128xi32, #tpu.memory_space<vmem>> -> memref<128xi32, #tpu.memory_space<vmem>>
      %dma_wait3A_248 = arith.constant 0 : i32
      %dma_wait3A_249 = tpu.memref_slice %arg3[%dma_wait3A_243, %dma_wait3A_248] : memref<2x320000xi32, #tpu.memory_space<hbm>> -> memref<1x128xi32, #tpu.memory_space<hbm>>
      %dma_wait3A_250 = tpu.memref_squeeze %dma_wait3A_249 : memref<1x128xi32, #tpu.memory_space<hbm>> -> memref<128xi32, #tpu.memory_space<hbm>>
      %dma_wait3A_251 = arith.constant 0 : i32
      %dma_wait3A_252 = tpu.memref_slice %arg5[%dma_wait3A_244, %dma_wait3A_251] : memref<4x128xi32, #tpu.memory_space<vmem>> -> memref<1x128xi32, #tpu.memory_space<vmem>>
      %dma_wait3A_253 = tpu.memref_squeeze %dma_wait3A_252 : memref<1x128xi32, #tpu.memory_space<vmem>> -> memref<128xi32, #tpu.memory_space<vmem>>
      %dma_wait3A_254 = arith.constant 0 : i32
      %dma_wait3A_255 = tpu.memref_slice %arg3[%dma_wait3A_243, %dma_wait3A_254] : memref<2x320000xi32, #tpu.memory_space<hbm>> -> memref<1x128xi32, #tpu.memory_space<hbm>>
      %dma_wait3A_256 = tpu.memref_squeeze %dma_wait3A_255 : memref<1x128xi32, #tpu.memory_space<hbm>> -> memref<128xi32, #tpu.memory_space<hbm>>
      tpu.wait_dma2 semaphore(%arg17 : memref<!tpu.dma_semaphore, #tpu.memory_space<semaphore_mem>>) src(%dma_wait3A_256 : memref<128xi32, #tpu.memory_space<hbm>>) dst(%dma_wait3A_253 : memref<128xi32, #tpu.memory_space<vmem>>)
      %run_scoped3A_257 = arith.constant 3 : i32
      "tpu.region"() ({
        %run_scoped3A_270 = tpu.sem_alloc : memref<!tpu.dma_semaphore, #tpu.memory_space<semaphore_mem>>
        %dma_start3A = arith.constant 0 : i32
        %dma_start3A_271 = tpu.memref_slice %arg6[%run_scoped3A_257, %dma_start3A] : memref<4x128xi32, #tpu.memory_space<vmem>> -> memref<1x128xi32, #tpu.memory_space<vmem>>
        %dma_start3A_272 = tpu.memref_squeeze %dma_start3A_271 : memref<1x128xi32, #tpu.memory_space<vmem>> -> memref<128xi32, #tpu.memory_space<vmem>>
        %dma_start3A_273 = arith.constant 0 : i32
        %dma_start3A_274 = arith.constant 0 : i32
        %dma_start3A_275 = tpu.memref_slice %arg9[%dma_start3A_273, %dma_start3A_274] : memref<10240x128xf32, #tpu.memory_space<vmem_shared>> -> memref<10240x128xf32, #tpu.memory_space<vmem_shared>>
        tpu.enqueue_indirect_dma source(%arg8 : memref<128x128xf32, #tpu.memory_space<vmem>>) target(%dma_start3A_275 : memref<10240x128xf32, #tpu.memory_space<vmem_shared>>) offsets(%dma_start3A_272 : memref<128xi32, #tpu.memory_space<vmem>>) semaphore(%run_scoped3A_270 : memref<!tpu.dma_semaphore, #tpu.memory_space<semaphore_mem>>) {add = true}
        %dma_wait3A_276 = arith.constant 0 : i32
        %dma_wait3A_277 = tpu.memref_slice %arg6[%run_scoped3A_257, %dma_wait3A_276] : memref<4x128xi32, #tpu.memory_space<vmem>> -> memref<1x128xi32, #tpu.memory_space<vmem>>
        %dma_wait3A_278 = tpu.memref_squeeze %dma_wait3A_277 : memref<1x128xi32, #tpu.memory_space<vmem>> -> memref<128xi32, #tpu.memory_space<vmem>>
        %dma_wait3A_279 = arith.constant 0 : i32
        %dma_wait3A_280 = arith.constant 0 : i32
        %dma_wait3A_281 = tpu.memref_slice %arg9[%dma_wait3A_279, %dma_wait3A_280] : memref<10240x128xf32, #tpu.memory_space<vmem_shared>> -> memref<10240x128xf32, #tpu.memory_space<vmem_shared>>
        tpu.wait_indirect_dma semaphore(%run_scoped3A_270 : memref<!tpu.dma_semaphore, #tpu.memory_space<semaphore_mem>>) src(%arg8 : memref<128x128xf32, #tpu.memory_space<vmem>>) dst(%dma_wait3A_281 : memref<10240x128xf32, #tpu.memory_space<vmem_shared>>)
        tpu.yield
      }) : () -> ()
      %add3A_258 = arith.constant 4 : i32
      %add3A_259 = arith.addi %add3A_235, %add3A_258 : i32
      %lt3A_260 = arith.cmpi slt, %add3A_259, %max3A_8 : i32
      %convert_element_type3A_261 = arith.extui %lt3A_260 : i1 to i32
      %cond3A_262 = arith.constant 0 : i32
      %cond3A_263 = arith.cmpi ne, %convert_element_type3A_261, %cond3A_262 : i32
      scf.if %cond3A_263 {
        %add3A_270 = arith.constant 4 : i32
        %add3A_271 = arith.addi %add3A_235, %add3A_270 : i32
        %add3A_272 = arith.addi %add3A, %add3A_271 : i32
        %mul3A_273 = arith.constant 128 : i32
        %mul3A_274 = arith.muli %add3A_272, %mul3A_273 : i32
        %dma_start3A = arith.constant 0 : i32
        %dma_start3A_275 = arith.constant 3 : i32
        %dma_start3A_276 = arith.constant 0 : i32
        %dma_start3A_277 = tpu.memref_slice %arg5[%dma_start3A_275, %dma_start3A_276] : memref<4x128xi32, #tpu.memory_space<vmem>> -> memref<1x128xi32, #tpu.memory_space<vmem>>
        %dma_start3A_278 = tpu.memref_squeeze %dma_start3A_277 : memref<1x128xi32, #tpu.memory_space<vmem>> -> memref<128xi32, #tpu.memory_space<vmem>>
        %dma_start3A_279 = tpu.memref_slice %arg3[%dma_start3A, %mul3A_274] : memref<2x320000xi32, #tpu.memory_space<hbm>> -> memref<1x128xi32, #tpu.memory_space<hbm>>
        %dma_start3A_280 = tpu.memref_squeeze %dma_start3A_279 : memref<1x128xi32, #tpu.memory_space<hbm>> -> memref<128xi32, #tpu.memory_space<hbm>>
        %dma_start3A_281 = arith.constant 0 : i32
        %dma_start3A_282 = tpu.memref_slice %arg5[%dma_start3A_275, %dma_start3A_281] : memref<4x128xi32, #tpu.memory_space<vmem>> -> memref<1x128xi32, #tpu.memory_space<vmem>>
        %dma_start3A_283 = tpu.memref_squeeze %dma_start3A_282 : memref<1x128xi32, #tpu.memory_space<vmem>> -> memref<128xi32, #tpu.memory_space<vmem>>
        %dma_start3A_284 = tpu.memref_slice %arg3[%dma_start3A, %mul3A_274] : memref<2x320000xi32, #tpu.memory_space<hbm>> -> memref<1x128xi32, #tpu.memory_space<hbm>>
        %dma_start3A_285 = tpu.memref_squeeze %dma_start3A_284 : memref<1x128xi32, #tpu.memory_space<hbm>> -> memref<128xi32, #tpu.memory_space<hbm>>
        tpu.enqueue_dma source(%dma_start3A_285 : memref<128xi32, #tpu.memory_space<hbm>>) target(%dma_start3A_283 : memref<128xi32, #tpu.memory_space<vmem>>) target_semaphore(%arg13 : memref<!tpu.dma_semaphore, #tpu.memory_space<semaphore_mem>>)
        %dma_start3A_286 = arith.constant 1 : i32
        %dma_start3A_287 = arith.constant 3 : i32
        %dma_start3A_288 = arith.constant 0 : i32
        %dma_start3A_289 = tpu.memref_slice %arg6[%dma_start3A_287, %dma_start3A_288] : memref<4x128xi32, #tpu.memory_space<vmem>> -> memref<1x128xi32, #tpu.memory_space<vmem>>
        %dma_start3A_290 = tpu.memref_squeeze %dma_start3A_289 : memref<1x128xi32, #tpu.memory_space<vmem>> -> memref<128xi32, #tpu.memory_space<vmem>>
        %dma_start3A_291 = tpu.memref_slice %arg3[%dma_start3A_286, %mul3A_274] : memref<2x320000xi32, #tpu.memory_space<hbm>> -> memref<1x128xi32, #tpu.memory_space<hbm>>
        %dma_start3A_292 = tpu.memref_squeeze %dma_start3A_291 : memref<1x128xi32, #tpu.memory_space<hbm>> -> memref<128xi32, #tpu.memory_space<hbm>>
        %dma_start3A_293 = arith.constant 0 : i32
        %dma_start3A_294 = tpu.memref_slice %arg6[%dma_start3A_287, %dma_start3A_293] : memref<4x128xi32, #tpu.memory_space<vmem>> -> memref<1x128xi32, #tpu.memory_space<vmem>>
        %dma_start3A_295 = tpu.memref_squeeze %dma_start3A_294 : memref<1x128xi32, #tpu.memory_space<vmem>> -> memref<128xi32, #tpu.memory_space<vmem>>
        %dma_start3A_296 = tpu.memref_slice %arg3[%dma_start3A_286, %mul3A_274] : memref<2x320000xi32, #tpu.memory_space<hbm>> -> memref<1x128xi32, #tpu.memory_space<hbm>>
        %dma_start3A_297 = tpu.memref_squeeze %dma_start3A_296 : memref<1x128xi32, #tpu.memory_space<hbm>> -> memref<128xi32, #tpu.memory_space<hbm>>
        tpu.enqueue_dma source(%dma_start3A_297 : memref<128xi32, #tpu.memory_space<hbm>>) target(%dma_start3A_295 : memref<128xi32, #tpu.memory_space<vmem>>) target_semaphore(%arg17 : memref<!tpu.dma_semaphore, #tpu.memory_space<semaphore_mem>>)
      } else {
      }
      %add3A_264 = arith.constant 2 : i32
      %add3A_265 = arith.addi %add3A_235, %add3A_264 : i32
      %lt3A_266 = arith.cmpi slt, %add3A_265, %max3A_8 : i32
      %convert_element_type3A_267 = arith.extui %lt3A_266 : i1 to i32
      %cond3A_268 = arith.constant 0 : i32
      %cond3A_269 = arith.cmpi ne, %convert_element_type3A_267, %cond3A_268 : i32
      scf.if %cond3A_269 {
        %dma_wait3A_270 = arith.constant 0 : i32
        %dma_wait3A_271 = arith.constant 1 : i32
        %dma_wait3A_272 = arith.constant 0 : i32
        %dma_wait3A_273 = tpu.memref_slice %arg5[%dma_wait3A_271, %dma_wait3A_272] : memref<4x128xi32, #tpu.memory_space<vmem>> -> memref<1x128xi32, #tpu.memory_space<vmem>>
        %dma_wait3A_274 = tpu.memref_squeeze %dma_wait3A_273 : memref<1x128xi32, #tpu.memory_space<vmem>> -> memref<128xi32, #tpu.memory_space<vmem>>
        %dma_wait3A_275 = arith.constant 0 : i32
        %dma_wait3A_276 = tpu.memref_slice %arg3[%dma_wait3A_270, %dma_wait3A_275] : memref<2x320000xi32, #tpu.memory_space<hbm>> -> memref<1x128xi32, #tpu.memory_space<hbm>>
        %dma_wait3A_277 = tpu.memref_squeeze %dma_wait3A_276 : memref<1x128xi32, #tpu.memory_space<hbm>> -> memref<128xi32, #tpu.memory_space<hbm>>
        %dma_wait3A_278 = arith.constant 0 : i32
        %dma_wait3A_279 = tpu.memref_slice %arg5[%dma_wait3A_271, %dma_wait3A_278] : memref<4x128xi32, #tpu.memory_space<vmem>> -> memref<1x128xi32, #tpu.memory_space<vmem>>
        %dma_wait3A_280 = tpu.memref_squeeze %dma_wait3A_279 : memref<1x128xi32, #tpu.memory_space<vmem>> -> memref<128xi32, #tpu.memory_space<vmem>>
        %dma_wait3A_281 = arith.constant 0 : i32
        %dma_wait3A_282 = tpu.memref_slice %arg3[%dma_wait3A_270, %dma_wait3A_281] : memref<2x320000xi32, #tpu.memory_space<hbm>> -> memref<1x128xi32, #tpu.memory_space<hbm>>
        %dma_wait3A_283 = tpu.memref_squeeze %dma_wait3A_282 : memref<1x128xi32, #tpu.memory_space<hbm>> -> memref<128xi32, #tpu.memory_space<hbm>>
        tpu.wait_dma2 semaphore(%arg11 : memref<!tpu.dma_semaphore, #tpu.memory_space<semaphore_mem>>) src(%dma_wait3A_283 : memref<128xi32, #tpu.memory_space<hbm>>) dst(%dma_wait3A_280 : memref<128xi32, #tpu.memory_space<vmem>>)
        %dma_start3A = arith.constant 1 : i32
        %dma_start3A_284 = arith.constant 0 : i32
        %dma_start3A_285 = tpu.memref_slice %arg5[%dma_start3A, %dma_start3A_284] : memref<4x128xi32, #tpu.memory_space<vmem>> -> memref<1x128xi32, #tpu.memory_space<vmem>>
        %dma_start3A_286 = tpu.memref_squeeze %dma_start3A_285 : memref<1x128xi32, #tpu.memory_space<vmem>> -> memref<128xi32, #tpu.memory_space<vmem>>
        %dma_start3A_287 = arith.constant 0 : i32
        %dma_start3A_288 = arith.constant 0 : i32
        %dma_start3A_289 = tpu.memref_slice %arg2[%dma_start3A_287, %dma_start3A_288] : memref<10000x128xf32, #tpu.memory_space<hbm>> -> memref<10000x128xf32, #tpu.memory_space<hbm>>
        tpu.enqueue_indirect_dma source(%dma_start3A_289 : memref<10000x128xf32, #tpu.memory_space<hbm>>) target(%arg8 : memref<128x128xf32, #tpu.memory_space<vmem>>) offsets(%dma_start3A_286 : memref<128xi32, #tpu.memory_space<vmem>>) semaphore(%arg19 : memref<!tpu.dma_semaphore, #tpu.memory_space<semaphore_mem>>)
      } else {
      }
    }
    %while3A_89 = arith.constant 1 : i32
    scf.for %while3A_126 = %while3A_87 to %while3A_83 step %while3A_89  : i32 {
      %mul3A_127 = arith.constant 4 : i32
      %mul3A_128 = arith.muli %while3A_126, %mul3A_127 : i32
      %add3A_129 = arith.constant 0 : i32
      %add3A_130 = arith.addi %mul3A_128, %add3A_129 : i32
      %dma_wait3A = arith.constant 0 : i32
      %dma_wait3A_131 = arith.constant 0 : i32
      %dma_wait3A_132 = tpu.memref_slice %arg5[%dma_wait3A, %dma_wait3A_131] : memref<4x128xi32, #tpu.memory_space<vmem>> -> memref<1x128xi32, #tpu.memory_space<vmem>>
      %dma_wait3A_133 = tpu.memref_squeeze %dma_wait3A_132 : memref<1x128xi32, #tpu.memory_space<vmem>> -> memref<128xi32, #tpu.memory_space<vmem>>
      %dma_wait3A_134 = arith.constant 0 : i32
      %dma_wait3A_135 = arith.constant 0 : i32
      %dma_wait3A_136 = tpu.memref_slice %arg2[%dma_wait3A_134, %dma_wait3A_135] : memref<10000x128xf32, #tpu.memory_space<hbm>> -> memref<10000x128xf32, #tpu.memory_space<hbm>>
      tpu.wait_indirect_dma semaphore(%arg18 : memref<!tpu.dma_semaphore, #tpu.memory_space<semaphore_mem>>) src(%dma_wait3A_136 : memref<10000x128xf32, #tpu.memory_space<hbm>>) dst(%arg7 : memref<128x128xf32, #tpu.memory_space<vmem>>)
      %dma_wait3A_137 = arith.constant 0 : i32
      %dma_wait3A_138 = arith.constant 0 : i32
      %dma_wait3A_139 = arith.constant 0 : i32
      %dma_wait3A_140 = tpu.memref_slice %arg5[%dma_wait3A_138, %dma_wait3A_139] : memref<4x128xi32, #tpu.memory_space<vmem>> -> memref<1x128xi32, #tpu.memory_space<vmem>>
      %dma_wait3A_141 = tpu.memref_squeeze %dma_wait3A_140 : memref<1x128xi32, #tpu.memory_space<vmem>> -> memref<128xi32, #tpu.memory_space<vmem>>
      %dma_wait3A_142 = arith.constant 0 : i32
      %dma_wait3A_143 = tpu.memref_slice %arg3[%dma_wait3A_137, %dma_wait3A_142] : memref<2x320000xi32, #tpu.memory_space<hbm>> -> memref<1x128xi32, #tpu.memory_space<hbm>>
      %dma_wait3A_144 = tpu.memref_squeeze %dma_wait3A_143 : memref<1x128xi32, #tpu.memory_space<hbm>> -> memref<128xi32, #tpu.memory_space<hbm>>
      %dma_wait3A_145 = arith.constant 0 : i32
      %dma_wait3A_146 = tpu.memref_slice %arg5[%dma_wait3A_138, %dma_wait3A_145] : memref<4x128xi32, #tpu.memory_space<vmem>> -> memref<1x128xi32, #tpu.memory_space<vmem>>
      %dma_wait3A_147 = tpu.memref_squeeze %dma_wait3A_146 : memref<1x128xi32, #tpu.memory_space<vmem>> -> memref<128xi32, #tpu.memory_space<vmem>>
      %dma_wait3A_148 = arith.constant 0 : i32
      %dma_wait3A_149 = tpu.memref_slice %arg3[%dma_wait3A_137, %dma_wait3A_148] : memref<2x320000xi32, #tpu.memory_space<hbm>> -> memref<1x128xi32, #tpu.memory_space<hbm>>
      %dma_wait3A_150 = tpu.memref_squeeze %dma_wait3A_149 : memref<1x128xi32, #tpu.memory_space<hbm>> -> memref<128xi32, #tpu.memory_space<hbm>>
      tpu.wait_dma2 semaphore(%arg14 : memref<!tpu.dma_semaphore, #tpu.memory_space<semaphore_mem>>) src(%dma_wait3A_150 : memref<128xi32, #tpu.memory_space<hbm>>) dst(%dma_wait3A_147 : memref<128xi32, #tpu.memory_space<vmem>>)
      %run_scoped3A = arith.constant 0 : i32
      "tpu.region"() ({
        %run_scoped3A_270 = tpu.sem_alloc : memref<!tpu.dma_semaphore, #tpu.memory_space<semaphore_mem>>
        %dma_start3A = arith.constant 0 : i32
        %dma_start3A_271 = tpu.memref_slice %arg6[%run_scoped3A, %dma_start3A] : memref<4x128xi32, #tpu.memory_space<vmem>> -> memref<1x128xi32, #tpu.memory_space<vmem>>
        %dma_start3A_272 = tpu.memref_squeeze %dma_start3A_271 : memref<1x128xi32, #tpu.memory_space<vmem>> -> memref<128xi32, #tpu.memory_space<vmem>>
        %dma_start3A_273 = arith.constant 0 : i32
        %dma_start3A_274 = arith.constant 0 : i32
        %dma_start3A_275 = tpu.memref_slice %arg9[%dma_start3A_273, %dma_start3A_274] : memref<10240x128xf32, #tpu.memory_space<vmem_shared>> -> memref<10240x128xf32, #tpu.memory_space<vmem_shared>>
        tpu.enqueue_indirect_dma source(%arg7 : memref<128x128xf32, #tpu.memory_space<vmem>>) target(%dma_start3A_275 : memref<10240x128xf32, #tpu.memory_space<vmem_shared>>) offsets(%dma_start3A_272 : memref<128xi32, #tpu.memory_space<vmem>>) semaphore(%run_scoped3A_270 : memref<!tpu.dma_semaphore, #tpu.memory_space<semaphore_mem>>) {add = true}
        %dma_wait3A_276 = arith.constant 0 : i32
        %dma_wait3A_277 = tpu.memref_slice %arg6[%run_scoped3A, %dma_wait3A_276] : memref<4x128xi32, #tpu.memory_space<vmem>> -> memref<1x128xi32, #tpu.memory_space<vmem>>
        %dma_wait3A_278 = tpu.memref_squeeze %dma_wait3A_277 : memref<1x128xi32, #tpu.memory_space<vmem>> -> memref<128xi32, #tpu.memory_space<vmem>>
        %dma_wait3A_279 = arith.constant 0 : i32
        %dma_wait3A_280 = arith.constant 0 : i32
        %dma_wait3A_281 = tpu.memref_slice %arg9[%dma_wait3A_279, %dma_wait3A_280] : memref<10240x128xf32, #tpu.memory_space<vmem_shared>> -> memref<10240x128xf32, #tpu.memory_space<vmem_shared>>
        tpu.wait_indirect_dma semaphore(%run_scoped3A_270 : memref<!tpu.dma_semaphore, #tpu.memory_space<semaphore_mem>>) src(%arg7 : memref<128x128xf32, #tpu.memory_space<vmem>>) dst(%dma_wait3A_281 : memref<10240x128xf32, #tpu.memory_space<vmem_shared>>)
        tpu.yield
      }) : () -> ()
      %add3A_151 = arith.constant 4 : i32
      %add3A_152 = arith.addi %add3A_130, %add3A_151 : i32
      %lt3A = arith.cmpi slt, %add3A_152, %max3A_8 : i32
      %convert_element_type3A_153 = arith.extui %lt3A : i1 to i32
      %cond3A_154 = arith.constant 0 : i32
      %cond3A_155 = arith.cmpi ne, %convert_element_type3A_153, %cond3A_154 : i32
      scf.if %cond3A_155 {
        %add3A_270 = arith.constant 4 : i32
        %add3A_271 = arith.addi %add3A_130, %add3A_270 : i32
        %add3A_272 = arith.addi %add3A, %add3A_271 : i32
        %mul3A_273 = arith.constant 128 : i32
        %mul3A_274 = arith.muli %add3A_272, %mul3A_273 : i32
        %dma_start3A = arith.constant 0 : i32
        %dma_start3A_275 = arith.constant 0 : i32
        %dma_start3A_276 = arith.constant 0 : i32
        %dma_start3A_277 = tpu.memref_slice %arg5[%dma_start3A_275, %dma_start3A_276] : memref<4x128xi32, #tpu.memory_space<vmem>> -> memref<1x128xi32, #tpu.memory_space<vmem>>
        %dma_start3A_278 = tpu.memref_squeeze %dma_start3A_277 : memref<1x128xi32, #tpu.memory_space<vmem>> -> memref<128xi32, #tpu.memory_space<vmem>>
        %dma_start3A_279 = tpu.memref_slice %arg3[%dma_start3A, %mul3A_274] : memref<2x320000xi32, #tpu.memory_space<hbm>> -> memref<1x128xi32, #tpu.memory_space<hbm>>
        %dma_start3A_280 = tpu.memref_squeeze %dma_start3A_279 : memref<1x128xi32, #tpu.memory_space<hbm>> -> memref<128xi32, #tpu.memory_space<hbm>>
        %dma_start3A_281 = arith.constant 0 : i32
        %dma_start3A_282 = tpu.memref_slice %arg5[%dma_start3A_275, %dma_start3A_281] : memref<4x128xi32, #tpu.memory_space<vmem>> -> memref<1x128xi32, #tpu.memory_space<vmem>>
        %dma_start3A_283 = tpu.memref_squeeze %dma_start3A_282 : memref<1x128xi32, #tpu.memory_space<vmem>> -> memref<128xi32, #tpu.memory_space<vmem>>
        %dma_start3A_284 = tpu.memref_slice %arg3[%dma_start3A, %mul3A_274] : memref<2x320000xi32, #tpu.memory_space<hbm>> -> memref<1x128xi32, #tpu.memory_space<hbm>>
        %dma_start3A_285 = tpu.memref_squeeze %dma_start3A_284 : memref<1x128xi32, #tpu.memory_space<hbm>> -> memref<128xi32, #tpu.memory_space<hbm>>
        tpu.enqueue_dma source(%dma_start3A_285 : memref<128xi32, #tpu.memory_space<hbm>>) target(%dma_start3A_283 : memref<128xi32, #tpu.memory_space<vmem>>) target_semaphore(%arg10 : memref<!tpu.dma_semaphore, #tpu.memory_space<semaphore_mem>>)
        %dma_start3A_286 = arith.constant 1 : i32
        %dma_start3A_287 = arith.constant 0 : i32
        %dma_start3A_288 = arith.constant 0 : i32
        %dma_start3A_289 = tpu.memref_slice %arg6[%dma_start3A_287, %dma_start3A_288] : memref<4x128xi32, #tpu.memory_space<vmem>> -> memref<1x128xi32, #tpu.memory_space<vmem>>
        %dma_start3A_290 = tpu.memref_squeeze %dma_start3A_289 : memref<1x128xi32, #tpu.memory_space<vmem>> -> memref<128xi32, #tpu.memory_space<vmem>>
        %dma_start3A_291 = tpu.memref_slice %arg3[%dma_start3A_286, %mul3A_274] : memref<2x320000xi32, #tpu.memory_space<hbm>> -> memref<1x128xi32, #tpu.memory_space<hbm>>
        %dma_start3A_292 = tpu.memref_squeeze %dma_start3A_291 : memref<1x128xi32, #tpu.memory_space<hbm>> -> memref<128xi32, #tpu.memory_space<hbm>>
        %dma_start3A_293 = arith.constant 0 : i32
        %dma_start3A_294 = tpu.memref_slice %arg6[%dma_start3A_287, %dma_start3A_293] : memref<4x128xi32, #tpu.memory_space<vmem>> -> memref<1x128xi32, #tpu.memory_space<vmem>>
        %dma_start3A_295 = tpu.memref_squeeze %dma_start3A_294 : memref<1x128xi32, #tpu.memory_space<vmem>> -> memref<128xi32, #tpu.memory_space<vmem>>
        %dma_start3A_296 = tpu.memref_slice %arg3[%dma_start3A_286, %mul3A_274] : memref<2x320000xi32, #tpu.memory_space<hbm>> -> memref<1x128xi32, #tpu.memory_space<hbm>>
        %dma_start3A_297 = tpu.memref_squeeze %dma_start3A_296 : memref<1x128xi32, #tpu.memory_space<hbm>> -> memref<128xi32, #tpu.memory_space<hbm>>
        tpu.enqueue_dma source(%dma_start3A_297 : memref<128xi32, #tpu.memory_space<hbm>>) target(%dma_start3A_295 : memref<128xi32, #tpu.memory_space<vmem>>) target_semaphore(%arg14 : memref<!tpu.dma_semaphore, #tpu.memory_space<semaphore_mem>>)
      } else {
      }
      %add3A_156 = arith.constant 2 : i32
      %add3A_157 = arith.addi %add3A_130, %add3A_156 : i32
      %lt3A_158 = arith.cmpi slt, %add3A_157, %max3A_8 : i32
      %convert_element_type3A_159 = arith.extui %lt3A_158 : i1 to i32
      %cond3A_160 = arith.constant 0 : i32
      %cond3A_161 = arith.cmpi ne, %convert_element_type3A_159, %cond3A_160 : i32
      scf.if %cond3A_161 {
        %dma_wait3A_270 = arith.constant 0 : i32
        %dma_wait3A_271 = arith.constant 2 : i32
        %dma_wait3A_272 = arith.constant 0 : i32
        %dma_wait3A_273 = tpu.memref_slice %arg5[%dma_wait3A_271, %dma_wait3A_272] : memref<4x128xi32, #tpu.memory_space<vmem>> -> memref<1x128xi32, #tpu.memory_space<vmem>>
        %dma_wait3A_274 = tpu.memref_squeeze %dma_wait3A_273 : memref<1x128xi32, #tpu.memory_space<vmem>> -> memref<128xi32, #tpu.memory_space<vmem>>
        %dma_wait3A_275 = arith.constant 0 : i32
        %dma_wait3A_276 = tpu.memref_slice %arg3[%dma_wait3A_270, %dma_wait3A_275] : memref<2x320000xi32, #tpu.memory_space<hbm>> -> memref<1x128xi32, #tpu.memory_space<hbm>>
        %dma_wait3A_277 = tpu.memref_squeeze %dma_wait3A_276 : memref<1x128xi32, #tpu.memory_space<hbm>> -> memref<128xi32, #tpu.memory_space<hbm>>
        %dma_wait3A_278 = arith.constant 0 : i32
        %dma_wait3A_279 = tpu.memref_slice %arg5[%dma_wait3A_271, %dma_wait3A_278] : memref<4x128xi32, #tpu.memory_space<vmem>> -> memref<1x128xi32, #tpu.memory_space<vmem>>
        %dma_wait3A_280 = tpu.memref_squeeze %dma_wait3A_279 : memref<1x128xi32, #tpu.memory_space<vmem>> -> memref<128xi32, #tpu.memory_space<vmem>>
        %dma_wait3A_281 = arith.constant 0 : i32
        %dma_wait3A_282 = tpu.memref_slice %arg3[%dma_wait3A_270, %dma_wait3A_281] : memref<2x320000xi32, #tpu.memory_space<hbm>> -> memref<1x128xi32, #tpu.memory_space<hbm>>
        %dma_wait3A_283 = tpu.memref_squeeze %dma_wait3A_282 : memref<1x128xi32, #tpu.memory_space<hbm>> -> memref<128xi32, #tpu.memory_space<hbm>>
        tpu.wait_dma2 semaphore(%arg12 : memref<!tpu.dma_semaphore, #tpu.memory_space<semaphore_mem>>) src(%dma_wait3A_283 : memref<128xi32, #tpu.memory_space<hbm>>) dst(%dma_wait3A_280 : memref<128xi32, #tpu.memory_space<vmem>>)
        %dma_start3A = arith.constant 2 : i32
        %dma_start3A_284 = arith.constant 0 : i32
        %dma_start3A_285 = tpu.memref_slice %arg5[%dma_start3A, %dma_start3A_284] : memref<4x128xi32, #tpu.memory_space<vmem>> -> memref<1x128xi32, #tpu.memory_space<vmem>>
        %dma_start3A_286 = tpu.memref_squeeze %dma_start3A_285 : memref<1x128xi32, #tpu.memory_space<vmem>> -> memref<128xi32, #tpu.memory_space<vmem>>
        %dma_start3A_287 = arith.constant 0 : i32
        %dma_start3A_288 = arith.constant 0 : i32
        %dma_start3A_289 = tpu.memref_slice %arg2[%dma_start3A_287, %dma_start3A_288] : memref<10000x128xf32, #tpu.memory_space<hbm>> -> memref<10000x128xf32, #tpu.memory_space<hbm>>
        tpu.enqueue_indirect_dma source(%dma_start3A_289 : memref<10000x128xf32, #tpu.memory_space<hbm>>) target(%arg7 : memref<128x128xf32, #tpu.memory_space<vmem>>) offsets(%dma_start3A_286 : memref<128xi32, #tpu.memory_space<vmem>>) semaphore(%arg18 : memref<!tpu.dma_semaphore, #tpu.memory_space<semaphore_mem>>)
      } else {
      }
      %add3A_162 = arith.constant 1 : i32
      %add3A_163 = arith.addi %mul3A_128, %add3A_162 : i32
      %dma_wait3A_164 = arith.constant 1 : i32
      %dma_wait3A_165 = arith.constant 0 : i32
      %dma_wait3A_166 = tpu.memref_slice %arg5[%dma_wait3A_164, %dma_wait3A_165] : memref<4x128xi32, #tpu.memory_space<vmem>> -> memref<1x128xi32, #tpu.memory_space<vmem>>
      %dma_wait3A_167 = tpu.memref_squeeze %dma_wait3A_166 : memref<1x128xi32, #tpu.memory_space<vmem>> -> memref<128xi32, #tpu.memory_space<vmem>>
      %dma_wait3A_168 = arith.constant 0 : i32
      %dma_wait3A_169 = arith.constant 0 : i32
      %dma_wait3A_170 = tpu.memref_slice %arg2[%dma_wait3A_168, %dma_wait3A_169] : memref<10000x128xf32, #tpu.memory_space<hbm>> -> memref<10000x128xf32, #tpu.memory_space<hbm>>
      tpu.wait_indirect_dma semaphore(%arg19 : memref<!tpu.dma_semaphore, #tpu.memory_space<semaphore_mem>>) src(%dma_wait3A_170 : memref<10000x128xf32, #tpu.memory_space<hbm>>) dst(%arg8 : memref<128x128xf32, #tpu.memory_space<vmem>>)
      %dma_wait3A_171 = arith.constant 0 : i32
      %dma_wait3A_172 = arith.constant 1 : i32
      %dma_wait3A_173 = arith.constant 0 : i32
      %dma_wait3A_174 = tpu.memref_slice %arg5[%dma_wait3A_172, %dma_wait3A_173] : memref<4x128xi32, #tpu.memory_space<vmem>> -> memref<1x128xi32, #tpu.memory_space<vmem>>
      %dma_wait3A_175 = tpu.memref_squeeze %dma_wait3A_174 : memref<1x128xi32, #tpu.memory_space<vmem>> -> memref<128xi32, #tpu.memory_space<vmem>>
      %dma_wait3A_176 = arith.constant 0 : i32
      %dma_wait3A_177 = tpu.memref_slice %arg3[%dma_wait3A_171, %dma_wait3A_176] : memref<2x320000xi32, #tpu.memory_space<hbm>> -> memref<1x128xi32, #tpu.memory_space<hbm>>
      %dma_wait3A_178 = tpu.memref_squeeze %dma_wait3A_177 : memref<1x128xi32, #tpu.memory_space<hbm>> -> memref<128xi32, #tpu.memory_space<hbm>>
      %dma_wait3A_179 = arith.constant 0 : i32
      %dma_wait3A_180 = tpu.memref_slice %arg5[%dma_wait3A_172, %dma_wait3A_179] : memref<4x128xi32, #tpu.memory_space<vmem>> -> memref<1x128xi32, #tpu.memory_space<vmem>>
      %dma_wait3A_181 = tpu.memref_squeeze %dma_wait3A_180 : memref<1x128xi32, #tpu.memory_space<vmem>> -> memref<128xi32, #tpu.memory_space<vmem>>
      %dma_wait3A_182 = arith.constant 0 : i32
      %dma_wait3A_183 = tpu.memref_slice %arg3[%dma_wait3A_171, %dma_wait3A_182] : memref<2x320000xi32, #tpu.memory_space<hbm>> -> memref<1x128xi32, #tpu.memory_space<hbm>>
      %dma_wait3A_184 = tpu.memref_squeeze %dma_wait3A_183 : memref<1x128xi32, #tpu.memory_space<hbm>> -> memref<128xi32, #tpu.memory_space<hbm>>
      tpu.wait_dma2 semaphore(%arg15 : memref<!tpu.dma_semaphore, #tpu.memory_space<semaphore_mem>>) src(%dma_wait3A_184 : memref<128xi32, #tpu.memory_space<hbm>>) dst(%dma_wait3A_181 : memref<128xi32, #tpu.memory_space<vmem>>)
      %run_scoped3A_185 = arith.constant 1 : i32
      "tpu.region"() ({
        %run_scoped3A_270 = tpu.sem_alloc : memref<!tpu.dma_semaphore, #tpu.memory_space<semaphore_mem>>
        %dma_start3A = arith.constant 0 : i32
        %dma_start3A_271 = tpu.memref_slice %arg6[%run_scoped3A_185, %dma_start3A] : memref<4x128xi32, #tpu.memory_space<vmem>> -> memref<1x128xi32, #tpu.memory_space<vmem>>
        %dma_start3A_272 = tpu.memref_squeeze %dma_start3A_271 : memref<1x128xi32, #tpu.memory_space<vmem>> -> memref<128xi32, #tpu.memory_space<vmem>>
        %dma_start3A_273 = arith.constant 0 : i32
        %dma_start3A_274 = arith.constant 0 : i32
        %dma_start3A_275 = tpu.memref_slice %arg9[%dma_start3A_273, %dma_start3A_274] : memref<10240x128xf32, #tpu.memory_space<vmem_shared>> -> memref<10240x128xf32, #tpu.memory_space<vmem_shared>>
        tpu.enqueue_indirect_dma source(%arg8 : memref<128x128xf32, #tpu.memory_space<vmem>>) target(%dma_start3A_275 : memref<10240x128xf32, #tpu.memory_space<vmem_shared>>) offsets(%dma_start3A_272 : memref<128xi32, #tpu.memory_space<vmem>>) semaphore(%run_scoped3A_270 : memref<!tpu.dma_semaphore, #tpu.memory_space<semaphore_mem>>) {add = true}
        %dma_wait3A_276 = arith.constant 0 : i32
        %dma_wait3A_277 = tpu.memref_slice %arg6[%run_scoped3A_185, %dma_wait3A_276] : memref<4x128xi32, #tpu.memory_space<vmem>> -> memref<1x128xi32, #tpu.memory_space<vmem>>
        %dma_wait3A_278 = tpu.memref_squeeze %dma_wait3A_277 : memref<1x128xi32, #tpu.memory_space<vmem>> -> memref<128xi32, #tpu.memory_space<vmem>>
        %dma_wait3A_279 = arith.constant 0 : i32
        %dma_wait3A_280 = arith.constant 0 : i32
        %dma_wait3A_281 = tpu.memref_slice %arg9[%dma_wait3A_279, %dma_wait3A_280] : memref<10240x128xf32, #tpu.memory_space<vmem_shared>> -> memref<10240x128xf32, #tpu.memory_space<vmem_shared>>
        tpu.wait_indirect_dma semaphore(%run_scoped3A_270 : memref<!tpu.dma_semaphore, #tpu.memory_space<semaphore_mem>>) src(%arg8 : memref<128x128xf32, #tpu.memory_space<vmem>>) dst(%dma_wait3A_281 : memref<10240x128xf32, #tpu.memory_space<vmem_shared>>)
        tpu.yield
      }) : () -> ()
      %add3A_186 = arith.constant 4 : i32
      %add3A_187 = arith.addi %add3A_163, %add3A_186 : i32
      %lt3A_188 = arith.cmpi slt, %add3A_187, %max3A_8 : i32
      %convert_element_type3A_189 = arith.extui %lt3A_188 : i1 to i32
      %cond3A_190 = arith.constant 0 : i32
      %cond3A_191 = arith.cmpi ne, %convert_element_type3A_189, %cond3A_190 : i32
      scf.if %cond3A_191 {
        %add3A_270 = arith.constant 4 : i32
        %add3A_271 = arith.addi %add3A_163, %add3A_270 : i32
        %add3A_272 = arith.addi %add3A, %add3A_271 : i32
        %mul3A_273 = arith.constant 128 : i32
        %mul3A_274 = arith.muli %add3A_272, %mul3A_273 : i32
        %dma_start3A = arith.constant 0 : i32
        %dma_start3A_275 = arith.constant 1 : i32
        %dma_start3A_276 = arith.constant 0 : i32
        %dma_start3A_277 = tpu.memref_slice %arg5[%dma_start3A_275, %dma_start3A_276] : memref<4x128xi32, #tpu.memory_space<vmem>> -> memref<1x128xi32, #tpu.memory_space<vmem>>
        %dma_start3A_278 = tpu.memref_squeeze %dma_start3A_277 : memref<1x128xi32, #tpu.memory_space<vmem>> -> memref<128xi32, #tpu.memory_space<vmem>>
        %dma_start3A_279 = tpu.memref_slice %arg3[%dma_start3A, %mul3A_274] : memref<2x320000xi32, #tpu.memory_space<hbm>> -> memref<1x128xi32, #tpu.memory_space<hbm>>
        %dma_start3A_280 = tpu.memref_squeeze %dma_start3A_279 : memref<1x128xi32, #tpu.memory_space<hbm>> -> memref<128xi32, #tpu.memory_space<hbm>>
        %dma_start3A_281 = arith.constant 0 : i32
        %dma_start3A_282 = tpu.memref_slice %arg5[%dma_start3A_275, %dma_start3A_281] : memref<4x128xi32, #tpu.memory_space<vmem>> -> memref<1x128xi32, #tpu.memory_space<vmem>>
        %dma_start3A_283 = tpu.memref_squeeze %dma_start3A_282 : memref<1x128xi32, #tpu.memory_space<vmem>> -> memref<128xi32, #tpu.memory_space<vmem>>
        %dma_start3A_284 = tpu.memref_slice %arg3[%dma_start3A, %mul3A_274] : memref<2x320000xi32, #tpu.memory_space<hbm>> -> memref<1x128xi32, #tpu.memory_space<hbm>>
        %dma_start3A_285 = tpu.memref_squeeze %dma_start3A_284 : memref<1x128xi32, #tpu.memory_space<hbm>> -> memref<128xi32, #tpu.memory_space<hbm>>
        tpu.enqueue_dma source(%dma_start3A_285 : memref<128xi32, #tpu.memory_space<hbm>>) target(%dma_start3A_283 : memref<128xi32, #tpu.memory_space<vmem>>) target_semaphore(%arg11 : memref<!tpu.dma_semaphore, #tpu.memory_space<semaphore_mem>>)
        %dma_start3A_286 = arith.constant 1 : i32
        %dma_start3A_287 = arith.constant 1 : i32
        %dma_start3A_288 = arith.constant 0 : i32
        %dma_start3A_289 = tpu.memref_slice %arg6[%dma_start3A_287, %dma_start3A_288] : memref<4x128xi32, #tpu.memory_space<vmem>> -> memref<1x128xi32, #tpu.memory_space<vmem>>
        %dma_start3A_290 = tpu.memref_squeeze %dma_start3A_289 : memref<1x128xi32, #tpu.memory_space<vmem>> -> memref<128xi32, #tpu.memory_space<vmem>>
        %dma_start3A_291 = tpu.memref_slice %arg3[%dma_start3A_286, %mul3A_274] : memref<2x320000xi32, #tpu.memory_space<hbm>> -> memref<1x128xi32, #tpu.memory_space<hbm>>
        %dma_start3A_292 = tpu.memref_squeeze %dma_start3A_291 : memref<1x128xi32, #tpu.memory_space<hbm>> -> memref<128xi32, #tpu.memory_space<hbm>>
        %dma_start3A_293 = arith.constant 0 : i32
        %dma_start3A_294 = tpu.memref_slice %arg6[%dma_start3A_287, %dma_start3A_293] : memref<4x128xi32, #tpu.memory_space<vmem>> -> memref<1x128xi32, #tpu.memory_space<vmem>>
        %dma_start3A_295 = tpu.memref_squeeze %dma_start3A_294 : memref<1x128xi32, #tpu.memory_space<vmem>> -> memref<128xi32, #tpu.memory_space<vmem>>
        %dma_start3A_296 = tpu.memref_slice %arg3[%dma_start3A_286, %mul3A_274] : memref<2x320000xi32, #tpu.memory_space<hbm>> -> memref<1x128xi32, #tpu.memory_space<hbm>>
        %dma_start3A_297 = tpu.memref_squeeze %dma_start3A_296 : memref<1x128xi32, #tpu.memory_space<hbm>> -> memref<128xi32, #tpu.memory_space<hbm>>
        tpu.enqueue_dma source(%dma_start3A_297 : memref<128xi32, #tpu.memory_space<hbm>>) target(%dma_start3A_295 : memref<128xi32, #tpu.memory_space<vmem>>) target_semaphore(%arg15 : memref<!tpu.dma_semaphore, #tpu.memory_space<semaphore_mem>>)
      } else {
      }
      %add3A_192 = arith.constant 2 : i32
      %add3A_193 = arith.addi %add3A_163, %add3A_192 : i32
      %lt3A_194 = arith.cmpi slt, %add3A_193, %max3A_8 : i32
      %convert_element_type3A_195 = arith.extui %lt3A_194 : i1 to i32
      %cond3A_196 = arith.constant 0 : i32
      %cond3A_197 = arith.cmpi ne, %convert_element_type3A_195, %cond3A_196 : i32
      scf.if %cond3A_197 {
        %dma_wait3A_270 = arith.constant 0 : i32
        %dma_wait3A_271 = arith.constant 3 : i32
        %dma_wait3A_272 = arith.constant 0 : i32
        %dma_wait3A_273 = tpu.memref_slice %arg5[%dma_wait3A_271, %dma_wait3A_272] : memref<4x128xi32, #tpu.memory_space<vmem>> -> memref<1x128xi32, #tpu.memory_space<vmem>>
        %dma_wait3A_274 = tpu.memref_squeeze %dma_wait3A_273 : memref<1x128xi32, #tpu.memory_space<vmem>> -> memref<128xi32, #tpu.memory_space<vmem>>
        %dma_wait3A_275 = arith.constant 0 : i32
        %dma_wait3A_276 = tpu.memref_slice %arg3[%dma_wait3A_270, %dma_wait3A_275] : memref<2x320000xi32, #tpu.memory_space<hbm>> -> memref<1x128xi32, #tpu.memory_space<hbm>>
        %dma_wait3A_277 = tpu.memref_squeeze %dma_wait3A_276 : memref<1x128xi32, #tpu.memory_space<hbm>> -> memref<128xi32, #tpu.memory_space<hbm>>
        %dma_wait3A_278 = arith.constant 0 : i32
        %dma_wait3A_279 = tpu.memref_slice %arg5[%dma_wait3A_271, %dma_wait3A_278] : memref<4x128xi32, #tpu.memory_space<vmem>> -> memref<1x128xi32, #tpu.memory_space<vmem>>
        %dma_wait3A_280 = tpu.memref_squeeze %dma_wait3A_279 : memref<1x128xi32, #tpu.memory_space<vmem>> -> memref<128xi32, #tpu.memory_space<vmem>>
        %dma_wait3A_281 = arith.constant 0 : i32
        %dma_wait3A_282 = tpu.memref_slice %arg3[%dma_wait3A_270, %dma_wait3A_281] : memref<2x320000xi32, #tpu.memory_space<hbm>> -> memref<1x128xi32, #tpu.memory_space<hbm>>
        %dma_wait3A_283 = tpu.memref_squeeze %dma_wait3A_282 : memref<1x128xi32, #tpu.memory_space<hbm>> -> memref<128xi32, #tpu.memory_space<hbm>>
        tpu.wait_dma2 semaphore(%arg13 : memref<!tpu.dma_semaphore, #tpu.memory_space<semaphore_mem>>) src(%dma_wait3A_283 : memref<128xi32, #tpu.memory_space<hbm>>) dst(%dma_wait3A_280 : memref<128xi32, #tpu.memory_space<vmem>>)
        %dma_start3A = arith.constant 3 : i32
        %dma_start3A_284 = arith.constant 0 : i32
        %dma_start3A_285 = tpu.memref_slice %arg5[%dma_start3A, %dma_start3A_284] : memref<4x128xi32, #tpu.memory_space<vmem>> -> memref<1x128xi32, #tpu.memory_space<vmem>>
        %dma_start3A_286 = tpu.memref_squeeze %dma_start3A_285 : memref<1x128xi32, #tpu.memory_space<vmem>> -> memref<128xi32, #tpu.memory_space<vmem>>
        %dma_start3A_287 = arith.constant 0 : i32
        %dma_start3A_288 = arith.constant 0 : i32
        %dma_start3A_289 = tpu.memref_slice %arg2[%dma_start3A_287, %dma_start3A_288] : memref<10000x128xf32, #tpu.memory_space<hbm>> -> memref<10000x128xf32, #tpu.memory_space<hbm>>
        tpu.enqueue_indirect_dma source(%dma_start3A_289 : memref<10000x128xf32, #tpu.memory_space<hbm>>) target(%arg8 : memref<128x128xf32, #tpu.memory_space<vmem>>) offsets(%dma_start3A_286 : memref<128xi32, #tpu.memory_space<vmem>>) semaphore(%arg19 : memref<!tpu.dma_semaphore, #tpu.memory_space<semaphore_mem>>)
      } else {
      }
      %add3A_198 = arith.constant 2 : i32
      %add3A_199 = arith.addi %mul3A_128, %add3A_198 : i32
      %dma_wait3A_200 = arith.constant 2 : i32
      %dma_wait3A_201 = arith.constant 0 : i32
      %dma_wait3A_202 = tpu.memref_slice %arg5[%dma_wait3A_200, %dma_wait3A_201] : memref<4x128xi32, #tpu.memory_space<vmem>> -> memref<1x128xi32, #tpu.memory_space<vmem>>
      %dma_wait3A_203 = tpu.memref_squeeze %dma_wait3A_202 : memref<1x128xi32, #tpu.memory_space<vmem>> -> memref<128xi32, #tpu.memory_space<vmem>>
      %dma_wait3A_204 = arith.constant 0 : i32
      %dma_wait3A_205 = arith.constant 0 : i32
      %dma_wait3A_206 = tpu.memref_slice %arg2[%dma_wait3A_204, %dma_wait3A_205] : memref<10000x128xf32, #tpu.memory_space<hbm>> -> memref<10000x128xf32, #tpu.memory_space<hbm>>
      tpu.wait_indirect_dma semaphore(%arg18 : memref<!tpu.dma_semaphore, #tpu.memory_space<semaphore_mem>>) src(%dma_wait3A_206 : memref<10000x128xf32, #tpu.memory_space<hbm>>) dst(%arg7 : memref<128x128xf32, #tpu.memory_space<vmem>>)
      %dma_wait3A_207 = arith.constant 0 : i32
      %dma_wait3A_208 = arith.constant 2 : i32
      %dma_wait3A_209 = arith.constant 0 : i32
      %dma_wait3A_210 = tpu.memref_slice %arg5[%dma_wait3A_208, %dma_wait3A_209] : memref<4x128xi32, #tpu.memory_space<vmem>> -> memref<1x128xi32, #tpu.memory_space<vmem>>
      %dma_wait3A_211 = tpu.memref_squeeze %dma_wait3A_210 : memref<1x128xi32, #tpu.memory_space<vmem>> -> memref<128xi32, #tpu.memory_space<vmem>>
      %dma_wait3A_212 = arith.constant 0 : i32
      %dma_wait3A_213 = tpu.memref_slice %arg3[%dma_wait3A_207, %dma_wait3A_212] : memref<2x320000xi32, #tpu.memory_space<hbm>> -> memref<1x128xi32, #tpu.memory_space<hbm>>
      %dma_wait3A_214 = tpu.memref_squeeze %dma_wait3A_213 : memref<1x128xi32, #tpu.memory_space<hbm>> -> memref<128xi32, #tpu.memory_space<hbm>>
      %dma_wait3A_215 = arith.constant 0 : i32
      %dma_wait3A_216 = tpu.memref_slice %arg5[%dma_wait3A_208, %dma_wait3A_215] : memref<4x128xi32, #tpu.memory_space<vmem>> -> memref<1x128xi32, #tpu.memory_space<vmem>>
      %dma_wait3A_217 = tpu.memref_squeeze %dma_wait3A_216 : memref<1x128xi32, #tpu.memory_space<vmem>> -> memref<128xi32, #tpu.memory_space<vmem>>
      %dma_wait3A_218 = arith.constant 0 : i32
      %dma_wait3A_219 = tpu.memref_slice %arg3[%dma_wait3A_207, %dma_wait3A_218] : memref<2x320000xi32, #tpu.memory_space<hbm>> -> memref<1x128xi32, #tpu.memory_space<hbm>>
      %dma_wait3A_220 = tpu.memref_squeeze %dma_wait3A_219 : memref<1x128xi32, #tpu.memory_space<hbm>> -> memref<128xi32, #tpu.memory_space<hbm>>
      tpu.wait_dma2 semaphore(%arg16 : memref<!tpu.dma_semaphore, #tpu.memory_space<semaphore_mem>>) src(%dma_wait3A_220 : memref<128xi32, #tpu.memory_space<hbm>>) dst(%dma_wait3A_217 : memref<128xi32, #tpu.memory_space<vmem>>)
      %run_scoped3A_221 = arith.constant 2 : i32
      "tpu.region"() ({
        %run_scoped3A_270 = tpu.sem_alloc : memref<!tpu.dma_semaphore, #tpu.memory_space<semaphore_mem>>
        %dma_start3A = arith.constant 0 : i32
        %dma_start3A_271 = tpu.memref_slice %arg6[%run_scoped3A_221, %dma_start3A] : memref<4x128xi32, #tpu.memory_space<vmem>> -> memref<1x128xi32, #tpu.memory_space<vmem>>
        %dma_start3A_272 = tpu.memref_squeeze %dma_start3A_271 : memref<1x128xi32, #tpu.memory_space<vmem>> -> memref<128xi32, #tpu.memory_space<vmem>>
        %dma_start3A_273 = arith.constant 0 : i32
        %dma_start3A_274 = arith.constant 0 : i32
        %dma_start3A_275 = tpu.memref_slice %arg9[%dma_start3A_273, %dma_start3A_274] : memref<10240x128xf32, #tpu.memory_space<vmem_shared>> -> memref<10240x128xf32, #tpu.memory_space<vmem_shared>>
        tpu.enqueue_indirect_dma source(%arg7 : memref<128x128xf32, #tpu.memory_space<vmem>>) target(%dma_start3A_275 : memref<10240x128xf32, #tpu.memory_space<vmem_shared>>) offsets(%dma_start3A_272 : memref<128xi32, #tpu.memory_space<vmem>>) semaphore(%run_scoped3A_270 : memref<!tpu.dma_semaphore, #tpu.memory_space<semaphore_mem>>) {add = true}
        %dma_wait3A_276 = arith.constant 0 : i32
        %dma_wait3A_277 = tpu.memref_slice %arg6[%run_scoped3A_221, %dma_wait3A_276] : memref<4x128xi32, #tpu.memory_space<vmem>> -> memref<1x128xi32, #tpu.memory_space<vmem>>
        %dma_wait3A_278 = tpu.memref_squeeze %dma_wait3A_277 : memref<1x128xi32, #tpu.memory_space<vmem>> -> memref<128xi32, #tpu.memory_space<vmem>>
        %dma_wait3A_279 = arith.constant 0 : i32
        %dma_wait3A_280 = arith.constant 0 : i32
        %dma_wait3A_281 = tpu.memref_slice %arg9[%dma_wait3A_279, %dma_wait3A_280] : memref<10240x128xf32, #tpu.memory_space<vmem_shared>> -> memref<10240x128xf32, #tpu.memory_space<vmem_shared>>
        tpu.wait_indirect_dma semaphore(%run_scoped3A_270 : memref<!tpu.dma_semaphore, #tpu.memory_space<semaphore_mem>>) src(%arg7 : memref<128x128xf32, #tpu.memory_space<vmem>>) dst(%dma_wait3A_281 : memref<10240x128xf32, #tpu.memory_space<vmem_shared>>)
        tpu.yield
      }) : () -> ()
      %add3A_222 = arith.constant 4 : i32
      %add3A_223 = arith.addi %add3A_199, %add3A_222 : i32
      %lt3A_224 = arith.cmpi slt, %add3A_223, %max3A_8 : i32
      %convert_element_type3A_225 = arith.extui %lt3A_224 : i1 to i32
      %cond3A_226 = arith.constant 0 : i32
      %cond3A_227 = arith.cmpi ne, %convert_element_type3A_225, %cond3A_226 : i32
      scf.if %cond3A_227 {
        %add3A_270 = arith.constant 4 : i32
        %add3A_271 = arith.addi %add3A_199, %add3A_270 : i32
        %add3A_272 = arith.addi %add3A, %add3A_271 : i32
        %mul3A_273 = arith.constant 128 : i32
        %mul3A_274 = arith.muli %add3A_272, %mul3A_273 : i32
        %dma_start3A = arith.constant 0 : i32
        %dma_start3A_275 = arith.constant 2 : i32
        %dma_start3A_276 = arith.constant 0 : i32
        %dma_start3A_277 = tpu.memref_slice %arg5[%dma_start3A_275, %dma_start3A_276] : memref<4x128xi32, #tpu.memory_space<vmem>> -> memref<1x128xi32, #tpu.memory_space<vmem>>
        %dma_start3A_278 = tpu.memref_squeeze %dma_start3A_277 : memref<1x128xi32, #tpu.memory_space<vmem>> -> memref<128xi32, #tpu.memory_space<vmem>>
        %dma_start3A_279 = tpu.memref_slice %arg3[%dma_start3A, %mul3A_274] : memref<2x320000xi32, #tpu.memory_space<hbm>> -> memref<1x128xi32, #tpu.memory_space<hbm>>
        %dma_start3A_280 = tpu.memref_squeeze %dma_start3A_279 : memref<1x128xi32, #tpu.memory_space<hbm>> -> memref<128xi32, #tpu.memory_space<hbm>>
        %dma_start3A_281 = arith.constant 0 : i32
        %dma_start3A_282 = tpu.memref_slice %arg5[%dma_start3A_275, %dma_start3A_281] : memref<4x128xi32, #tpu.memory_space<vmem>> -> memref<1x128xi32, #tpu.memory_space<vmem>>
        %dma_start3A_283 = tpu.memref_squeeze %dma_start3A_282 : memref<1x128xi32, #tpu.memory_space<vmem>> -> memref<128xi32, #tpu.memory_space<vmem>>
        %dma_start3A_284 = tpu.memref_slice %arg3[%dma_start3A, %mul3A_274] : memref<2x320000xi32, #tpu.memory_space<hbm>> -> memref<1x128xi32, #tpu.memory_space<hbm>>
        %dma_start3A_285 = tpu.memref_squeeze %dma_start3A_284 : memref<1x128xi32, #tpu.memory_space<hbm>> -> memref<128xi32, #tpu.memory_space<hbm>>
        tpu.enqueue_dma source(%dma_start3A_285 : memref<128xi32, #tpu.memory_space<hbm>>) target(%dma_start3A_283 : memref<128xi32, #tpu.memory_space<vmem>>) target_semaphore(%arg12 : memref<!tpu.dma_semaphore, #tpu.memory_space<semaphore_mem>>)
        %dma_start3A_286 = arith.constant 1 : i32
        %dma_start3A_287 = arith.constant 2 : i32
        %dma_start3A_288 = arith.constant 0 : i32
        %dma_start3A_289 = tpu.memref_slice %arg6[%dma_start3A_287, %dma_start3A_288] : memref<4x128xi32, #tpu.memory_space<vmem>> -> memref<1x128xi32, #tpu.memory_space<vmem>>
        %dma_start3A_290 = tpu.memref_squeeze %dma_start3A_289 : memref<1x128xi32, #tpu.memory_space<vmem>> -> memref<128xi32, #tpu.memory_space<vmem>>
        %dma_start3A_291 = tpu.memref_slice %arg3[%dma_start3A_286, %mul3A_274] : memref<2x320000xi32, #tpu.memory_space<hbm>> -> memref<1x128xi32, #tpu.memory_space<hbm>>
        %dma_start3A_292 = tpu.memref_squeeze %dma_start3A_291 : memref<1x128xi32, #tpu.memory_space<hbm>> -> memref<128xi32, #tpu.memory_space<hbm>>
        %dma_start3A_293 = arith.constant 0 : i32
        %dma_start3A_294 = tpu.memref_slice %arg6[%dma_start3A_287, %dma_start3A_293] : memref<4x128xi32, #tpu.memory_space<vmem>> -> memref<1x128xi32, #tpu.memory_space<vmem>>
        %dma_start3A_295 = tpu.memref_squeeze %dma_start3A_294 : memref<1x128xi32, #tpu.memory_space<vmem>> -> memref<128xi32, #tpu.memory_space<vmem>>
        %dma_start3A_296 = tpu.memref_slice %arg3[%dma_start3A_286, %mul3A_274] : memref<2x320000xi32, #tpu.memory_space<hbm>> -> memref<1x128xi32, #tpu.memory_space<hbm>>
        %dma_start3A_297 = tpu.memref_squeeze %dma_start3A_296 : memref<1x128xi32, #tpu.memory_space<hbm>> -> memref<128xi32, #tpu.memory_space<hbm>>
        tpu.enqueue_dma source(%dma_start3A_297 : memref<128xi32, #tpu.memory_space<hbm>>) target(%dma_start3A_295 : memref<128xi32, #tpu.memory_space<vmem>>) target_semaphore(%arg16 : memref<!tpu.dma_semaphore, #tpu.memory_space<semaphore_mem>>)
      } else {
      }
      %add3A_228 = arith.constant 2 : i32
      %add3A_229 = arith.addi %add3A_199, %add3A_228 : i32
      %lt3A_230 = arith.cmpi slt, %add3A_229, %max3A_8 : i32
      %convert_element_type3A_231 = arith.extui %lt3A_230 : i1 to i32
      %cond3A_232 = arith.constant 0 : i32
      %cond3A_233 = arith.cmpi ne, %convert_element_type3A_231, %cond3A_232 : i32
      scf.if %cond3A_233 {
        %dma_wait3A_270 = arith.constant 0 : i32
        %dma_wait3A_271 = arith.constant 0 : i32
        %dma_wait3A_272 = arith.constant 0 : i32
        %dma_wait3A_273 = tpu.memref_slice %arg5[%dma_wait3A_271, %dma_wait3A_272] : memref<4x128xi32, #tpu.memory_space<vmem>> -> memref<1x128xi32, #tpu.memory_space<vmem>>
        %dma_wait3A_274 = tpu.memref_squeeze %dma_wait3A_273 : memref<1x128xi32, #tpu.memory_space<vmem>> -> memref<128xi32, #tpu.memory_space<vmem>>
        %dma_wait3A_275 = arith.constant 0 : i32
        %dma_wait3A_276 = tpu.memref_slice %arg3[%dma_wait3A_270, %dma_wait3A_275] : memref<2x320000xi32, #tpu.memory_space<hbm>> -> memref<1x128xi32, #tpu.memory_space<hbm>>
        %dma_wait3A_277 = tpu.memref_squeeze %dma_wait3A_276 : memref<1x128xi32, #tpu.memory_space<hbm>> -> memref<128xi32, #tpu.memory_space<hbm>>
        %dma_wait3A_278 = arith.constant 0 : i32
        %dma_wait3A_279 = tpu.memref_slice %arg5[%dma_wait3A_271, %dma_wait3A_278] : memref<4x128xi32, #tpu.memory_space<vmem>> -> memref<1x128xi32, #tpu.memory_space<vmem>>
        %dma_wait3A_280 = tpu.memref_squeeze %dma_wait3A_279 : memref<1x128xi32, #tpu.memory_space<vmem>> -> memref<128xi32, #tpu.memory_space<vmem>>
        %dma_wait3A_281 = arith.constant 0 : i32
        %dma_wait3A_282 = tpu.memref_slice %arg3[%dma_wait3A_270, %dma_wait3A_281] : memref<2x320000xi32, #tpu.memory_space<hbm>> -> memref<1x128xi32, #tpu.memory_space<hbm>>
        %dma_wait3A_283 = tpu.memref_squeeze %dma_wait3A_282 : memref<1x128xi32, #tpu.memory_space<hbm>> -> memref<128xi32, #tpu.memory_space<hbm>>
        tpu.wait_dma2 semaphore(%arg10 : memref<!tpu.dma_semaphore, #tpu.memory_space<semaphore_mem>>) src(%dma_wait3A_283 : memref<128xi32, #tpu.memory_space<hbm>>) dst(%dma_wait3A_280 : memref<128xi32, #tpu.memory_space<vmem>>)
        %dma_start3A = arith.constant 0 : i32
        %dma_start3A_284 = arith.constant 0 : i32
        %dma_start3A_285 = tpu.memref_slice %arg5[%dma_start3A, %dma_start3A_284] : memref<4x128xi32, #tpu.memory_space<vmem>> -> memref<1x128xi32, #tpu.memory_space<vmem>>
        %dma_start3A_286 = tpu.memref_squeeze %dma_start3A_285 : memref<1x128xi32, #tpu.memory_space<vmem>> -> memref<128xi32, #tpu.memory_space<vmem>>
        %dma_start3A_287 = arith.constant 0 : i32
        %dma_start3A_288 = arith.constant 0 : i32
        %dma_start3A_289 = tpu.memref_slice %arg2[%dma_start3A_287, %dma_start3A_288] : memref<10000x128xf32, #tpu.memory_space<hbm>> -> memref<10000x128xf32, #tpu.memory_space<hbm>>
        tpu.enqueue_indirect_dma source(%dma_start3A_289 : memref<10000x128xf32, #tpu.memory_space<hbm>>) target(%arg7 : memref<128x128xf32, #tpu.memory_space<vmem>>) offsets(%dma_start3A_286 : memref<128xi32, #tpu.memory_space<vmem>>) semaphore(%arg18 : memref<!tpu.dma_semaphore, #tpu.memory_space<semaphore_mem>>)
      } else {
      }
      %add3A_234 = arith.constant 3 : i32
      %add3A_235 = arith.addi %mul3A_128, %add3A_234 : i32
      %dma_wait3A_236 = arith.constant 3 : i32
      %dma_wait3A_237 = arith.constant 0 : i32
      %dma_wait3A_238 = tpu.memref_slice %arg5[%dma_wait3A_236, %dma_wait3A_237] : memref<4x128xi32, #tpu.memory_space<vmem>> -> memref<1x128xi32, #tpu.memory_space<vmem>>
      %dma_wait3A_239 = tpu.memref_squeeze %dma_wait3A_238 : memref<1x128xi32, #tpu.memory_space<vmem>> -> memref<128xi32, #tpu.memory_space<vmem>>
      %dma_wait3A_240 = arith.constant 0 : i32
      %dma_wait3A_241 = arith.constant 0 : i32
      %dma_wait3A_242 = tpu.memref_slice %arg2[%dma_wait3A_240, %dma_wait3A_241] : memref<10000x128xf32, #tpu.memory_space<hbm>> -> memref<10000x128xf32, #tpu.memory_space<hbm>>
      tpu.wait_indirect_dma semaphore(%arg19 : memref<!tpu.dma_semaphore, #tpu.memory_space<semaphore_mem>>) src(%dma_wait3A_242 : memref<10000x128xf32, #tpu.memory_space<hbm>>) dst(%arg8 : memref<128x128xf32, #tpu.memory_space<vmem>>)
      %dma_wait3A_243 = arith.constant 0 : i32
      %dma_wait3A_244 = arith.constant 3 : i32
      %dma_wait3A_245 = arith.constant 0 : i32
      %dma_wait3A_246 = tpu.memref_slice %arg5[%dma_wait3A_244, %dma_wait3A_245] : memref<4x128xi32, #tpu.memory_space<vmem>> -> memref<1x128xi32, #tpu.memory_space<vmem>>
      %dma_wait3A_247 = tpu.memref_squeeze %dma_wait3A_246 : memref<1x128xi32, #tpu.memory_space<vmem>> -> memref<128xi32, #tpu.memory_space<vmem>>
      %dma_wait3A_248 = arith.constant 0 : i32
      %dma_wait3A_249 = tpu.memref_slice %arg3[%dma_wait3A_243, %dma_wait3A_248] : memref<2x320000xi32, #tpu.memory_space<hbm>> -> memref<1x128xi32, #tpu.memory_space<hbm>>
      %dma_wait3A_250 = tpu.memref_squeeze %dma_wait3A_249 : memref<1x128xi32, #tpu.memory_space<hbm>> -> memref<128xi32, #tpu.memory_space<hbm>>
      %dma_wait3A_251 = arith.constant 0 : i32
      %dma_wait3A_252 = tpu.memref_slice %arg5[%dma_wait3A_244, %dma_wait3A_251] : memref<4x128xi32, #tpu.memory_space<vmem>> -> memref<1x128xi32, #tpu.memory_space<vmem>>
      %dma_wait3A_253 = tpu.memref_squeeze %dma_wait3A_252 : memref<1x128xi32, #tpu.memory_space<vmem>> -> memref<128xi32, #tpu.memory_space<vmem>>
      %dma_wait3A_254 = arith.constant 0 : i32
      %dma_wait3A_255 = tpu.memref_slice %arg3[%dma_wait3A_243, %dma_wait3A_254] : memref<2x320000xi32, #tpu.memory_space<hbm>> -> memref<1x128xi32, #tpu.memory_space<hbm>>
      %dma_wait3A_256 = tpu.memref_squeeze %dma_wait3A_255 : memref<1x128xi32, #tpu.memory_space<hbm>> -> memref<128xi32, #tpu.memory_space<hbm>>
      tpu.wait_dma2 semaphore(%arg17 : memref<!tpu.dma_semaphore, #tpu.memory_space<semaphore_mem>>) src(%dma_wait3A_256 : memref<128xi32, #tpu.memory_space<hbm>>) dst(%dma_wait3A_253 : memref<128xi32, #tpu.memory_space<vmem>>)
      %run_scoped3A_257 = arith.constant 3 : i32
      "tpu.region"() ({
        %run_scoped3A_270 = tpu.sem_alloc : memref<!tpu.dma_semaphore, #tpu.memory_space<semaphore_mem>>
        %dma_start3A = arith.constant 0 : i32
        %dma_start3A_271 = tpu.memref_slice %arg6[%run_scoped3A_257, %dma_start3A] : memref<4x128xi32, #tpu.memory_space<vmem>> -> memref<1x128xi32, #tpu.memory_space<vmem>>
        %dma_start3A_272 = tpu.memref_squeeze %dma_start3A_271 : memref<1x128xi32, #tpu.memory_space<vmem>> -> memref<128xi32, #tpu.memory_space<vmem>>
        %dma_start3A_273 = arith.constant 0 : i32
        %dma_start3A_274 = arith.constant 0 : i32
        %dma_start3A_275 = tpu.memref_slice %arg9[%dma_start3A_273, %dma_start3A_274] : memref<10240x128xf32, #tpu.memory_space<vmem_shared>> -> memref<10240x128xf32, #tpu.memory_space<vmem_shared>>
        tpu.enqueue_indirect_dma source(%arg8 : memref<128x128xf32, #tpu.memory_space<vmem>>) target(%dma_start3A_275 : memref<10240x128xf32, #tpu.memory_space<vmem_shared>>) offsets(%dma_start3A_272 : memref<128xi32, #tpu.memory_space<vmem>>) semaphore(%run_scoped3A_270 : memref<!tpu.dma_semaphore, #tpu.memory_space<semaphore_mem>>) {add = true}
        %dma_wait3A_276 = arith.constant 0 : i32
        %dma_wait3A_277 = tpu.memref_slice %arg6[%run_scoped3A_257, %dma_wait3A_276] : memref<4x128xi32, #tpu.memory_space<vmem>> -> memref<1x128xi32, #tpu.memory_space<vmem>>
        %dma_wait3A_278 = tpu.memref_squeeze %dma_wait3A_277 : memref<1x128xi32, #tpu.memory_space<vmem>> -> memref<128xi32, #tpu.memory_space<vmem>>
        %dma_wait3A_279 = arith.constant 0 : i32
        %dma_wait3A_280 = arith.constant 0 : i32
        %dma_wait3A_281 = tpu.memref_slice %arg9[%dma_wait3A_279, %dma_wait3A_280] : memref<10240x128xf32, #tpu.memory_space<vmem_shared>> -> memref<10240x128xf32, #tpu.memory_space<vmem_shared>>
        tpu.wait_indirect_dma semaphore(%run_scoped3A_270 : memref<!tpu.dma_semaphore, #tpu.memory_space<semaphore_mem>>) src(%arg8 : memref<128x128xf32, #tpu.memory_space<vmem>>) dst(%dma_wait3A_281 : memref<10240x128xf32, #tpu.memory_space<vmem_shared>>)
        tpu.yield
      }) : () -> ()
      %add3A_258 = arith.constant 4 : i32
      %add3A_259 = arith.addi %add3A_235, %add3A_258 : i32
      %lt3A_260 = arith.cmpi slt, %add3A_259, %max3A_8 : i32
      %convert_element_type3A_261 = arith.extui %lt3A_260 : i1 to i32
      %cond3A_262 = arith.constant 0 : i32
      %cond3A_263 = arith.cmpi ne, %convert_element_type3A_261, %cond3A_262 : i32
      scf.if %cond3A_263 {
        %add3A_270 = arith.constant 4 : i32
        %add3A_271 = arith.addi %add3A_235, %add3A_270 : i32
        %add3A_272 = arith.addi %add3A, %add3A_271 : i32
        %mul3A_273 = arith.constant 128 : i32
        %mul3A_274 = arith.muli %add3A_272, %mul3A_273 : i32
        %dma_start3A = arith.constant 0 : i32
        %dma_start3A_275 = arith.constant 3 : i32
        %dma_start3A_276 = arith.constant 0 : i32
        %dma_start3A_277 = tpu.memref_slice %arg5[%dma_start3A_275, %dma_start3A_276] : memref<4x128xi32, #tpu.memory_space<vmem>> -> memref<1x128xi32, #tpu.memory_space<vmem>>
        %dma_start3A_278 = tpu.memref_squeeze %dma_start3A_277 : memref<1x128xi32, #tpu.memory_space<vmem>> -> memref<128xi32, #tpu.memory_space<vmem>>
        %dma_start3A_279 = tpu.memref_slice %arg3[%dma_start3A, %mul3A_274] : memref<2x320000xi32, #tpu.memory_space<hbm>> -> memref<1x128xi32, #tpu.memory_space<hbm>>
        %dma_start3A_280 = tpu.memref_squeeze %dma_start3A_279 : memref<1x128xi32, #tpu.memory_space<hbm>> -> memref<128xi32, #tpu.memory_space<hbm>>
        %dma_start3A_281 = arith.constant 0 : i32
        %dma_start3A_282 = tpu.memref_slice %arg5[%dma_start3A_275, %dma_start3A_281] : memref<4x128xi32, #tpu.memory_space<vmem>> -> memref<1x128xi32, #tpu.memory_space<vmem>>
        %dma_start3A_283 = tpu.memref_squeeze %dma_start3A_282 : memref<1x128xi32, #tpu.memory_space<vmem>> -> memref<128xi32, #tpu.memory_space<vmem>>
        %dma_start3A_284 = tpu.memref_slice %arg3[%dma_start3A, %mul3A_274] : memref<2x320000xi32, #tpu.memory_space<hbm>> -> memref<1x128xi32, #tpu.memory_space<hbm>>
        %dma_start3A_285 = tpu.memref_squeeze %dma_start3A_284 : memref<1x128xi32, #tpu.memory_space<hbm>> -> memref<128xi32, #tpu.memory_space<hbm>>
        tpu.enqueue_dma source(%dma_start3A_285 : memref<128xi32, #tpu.memory_space<hbm>>) target(%dma_start3A_283 : memref<128xi32, #tpu.memory_space<vmem>>) target_semaphore(%arg13 : memref<!tpu.dma_semaphore, #tpu.memory_space<semaphore_mem>>)
        %dma_start3A_286 = arith.constant 1 : i32
        %dma_start3A_287 = arith.constant 3 : i32
        %dma_start3A_288 = arith.constant 0 : i32
        %dma_start3A_289 = tpu.memref_slice %arg6[%dma_start3A_287, %dma_start3A_288] : memref<4x128xi32, #tpu.memory_space<vmem>> -> memref<1x128xi32, #tpu.memory_space<vmem>>
        %dma_start3A_290 = tpu.memref_squeeze %dma_start3A_289 : memref<1x128xi32, #tpu.memory_space<vmem>> -> memref<128xi32, #tpu.memory_space<vmem>>
        %dma_start3A_291 = tpu.memref_slice %arg3[%dma_start3A_286, %mul3A_274] : memref<2x320000xi32, #tpu.memory_space<hbm>> -> memref<1x128xi32, #tpu.memory_space<hbm>>
        %dma_start3A_292 = tpu.memref_squeeze %dma_start3A_291 : memref<1x128xi32, #tpu.memory_space<hbm>> -> memref<128xi32, #tpu.memory_space<hbm>>
        %dma_start3A_293 = arith.constant 0 : i32
        %dma_start3A_294 = tpu.memref_slice %arg6[%dma_start3A_287, %dma_start3A_293] : memref<4x128xi32, #tpu.memory_space<vmem>> -> memref<1x128xi32, #tpu.memory_space<vmem>>
        %dma_start3A_295 = tpu.memref_squeeze %dma_start3A_294 : memref<1x128xi32, #tpu.memory_space<vmem>> -> memref<128xi32, #tpu.memory_space<vmem>>
        %dma_start3A_296 = tpu.memref_slice %arg3[%dma_start3A_286, %mul3A_274] : memref<2x320000xi32, #tpu.memory_space<hbm>> -> memref<1x128xi32, #tpu.memory_space<hbm>>
        %dma_start3A_297 = tpu.memref_squeeze %dma_start3A_296 : memref<1x128xi32, #tpu.memory_space<hbm>> -> memref<128xi32, #tpu.memory_space<hbm>>
        tpu.enqueue_dma source(%dma_start3A_297 : memref<128xi32, #tpu.memory_space<hbm>>) target(%dma_start3A_295 : memref<128xi32, #tpu.memory_space<vmem>>) target_semaphore(%arg17 : memref<!tpu.dma_semaphore, #tpu.memory_space<semaphore_mem>>)
      } else {
      }
      %add3A_264 = arith.constant 2 : i32
      %add3A_265 = arith.addi %add3A_235, %add3A_264 : i32
      %lt3A_266 = arith.cmpi slt, %add3A_265, %max3A_8 : i32
      %convert_element_type3A_267 = arith.extui %lt3A_266 : i1 to i32
      %cond3A_268 = arith.constant 0 : i32
      %cond3A_269 = arith.cmpi ne, %convert_element_type3A_267, %cond3A_268 : i32
      scf.if %cond3A_269 {
        %dma_wait3A_270 = arith.constant 0 : i32
        %dma_wait3A_271 = arith.constant 1 : i32
        %dma_wait3A_272 = arith.constant 0 : i32
        %dma_wait3A_273 = tpu.memref_slice %arg5[%dma_wait3A_271, %dma_wait3A_272] : memref<4x128xi32, #tpu.memory_space<vmem>> -> memref<1x128xi32, #tpu.memory_space<vmem>>
        %dma_wait3A_274 = tpu.memref_squeeze %dma_wait3A_273 : memref<1x128xi32, #tpu.memory_space<vmem>> -> memref<128xi32, #tpu.memory_space<vmem>>
        %dma_wait3A_275 = arith.constant 0 : i32
        %dma_wait3A_276 = tpu.memref_slice %arg3[%dma_wait3A_270, %dma_wait3A_275] : memref<2x320000xi32, #tpu.memory_space<hbm>> -> memref<1x128xi32, #tpu.memory_space<hbm>>
        %dma_wait3A_277 = tpu.memref_squeeze %dma_wait3A_276 : memref<1x128xi32, #tpu.memory_space<hbm>> -> memref<128xi32, #tpu.memory_space<hbm>>
        %dma_wait3A_278 = arith.constant 0 : i32
        %dma_wait3A_279 = tpu.memref_slice %arg5[%dma_wait3A_271, %dma_wait3A_278] : memref<4x128xi32, #tpu.memory_space<vmem>> -> memref<1x128xi32, #tpu.memory_space<vmem>>
        %dma_wait3A_280 = tpu.memref_squeeze %dma_wait3A_279 : memref<1x128xi32, #tpu.memory_space<vmem>> -> memref<128xi32, #tpu.memory_space<vmem>>
        %dma_wait3A_281 = arith.constant 0 : i32
        %dma_wait3A_282 = tpu.memref_slice %arg3[%dma_wait3A_270, %dma_wait3A_281] : memref<2x320000xi32, #tpu.memory_space<hbm>> -> memref<1x128xi32, #tpu.memory_space<hbm>>
        %dma_wait3A_283 = tpu.memref_squeeze %dma_wait3A_282 : memref<1x128xi32, #tpu.memory_space<hbm>> -> memref<128xi32, #tpu.memory_space<hbm>>
        tpu.wait_dma2 semaphore(%arg11 : memref<!tpu.dma_semaphore, #tpu.memory_space<semaphore_mem>>) src(%dma_wait3A_283 : memref<128xi32, #tpu.memory_space<hbm>>) dst(%dma_wait3A_280 : memref<128xi32, #tpu.memory_space<vmem>>)
        %dma_start3A = arith.constant 1 : i32
        %dma_start3A_284 = arith.constant 0 : i32
        %dma_start3A_285 = tpu.memref_slice %arg5[%dma_start3A, %dma_start3A_284] : memref<4x128xi32, #tpu.memory_space<vmem>> -> memref<1x128xi32, #tpu.memory_space<vmem>>
        %dma_start3A_286 = tpu.memref_squeeze %dma_start3A_285 : memref<1x128xi32, #tpu.memory_space<vmem>> -> memref<128xi32, #tpu.memory_space<vmem>>
        %dma_start3A_287 = arith.constant 0 : i32
        %dma_start3A_288 = arith.constant 0 : i32
        %dma_start3A_289 = tpu.memref_slice %arg2[%dma_start3A_287, %dma_start3A_288] : memref<10000x128xf32, #tpu.memory_space<hbm>> -> memref<10000x128xf32, #tpu.memory_space<hbm>>
        tpu.enqueue_indirect_dma source(%dma_start3A_289 : memref<10000x128xf32, #tpu.memory_space<hbm>>) target(%arg8 : memref<128x128xf32, #tpu.memory_space<vmem>>) offsets(%dma_start3A_286 : memref<128xi32, #tpu.memory_space<vmem>>) semaphore(%arg19 : memref<!tpu.dma_semaphore, #tpu.memory_space<semaphore_mem>>)
      } else {
      }
    }
    %barrier3A_90 = arith.constant 0 : index
    tpu.barrier barrier_id(%barrier3A_90)
    %mul3A_91 = arith.constant 640 : i32
    %mul3A_92 = arith.muli %arg1, %mul3A_91 : i32
    %add3A_93 = arith.constant 0 : i32
    %add3A_94 = arith.addi %mul3A_92, %add3A_93 : i32
    %mul3A_95 = arith.constant 10240 : i32
    %mul3A_96 = arith.muli %arg0, %mul3A_95 : i32
    %add3A_97 = arith.addi %mul3A_96, %add3A_94 : i32
    "tpu.region"() ({
      %run_scoped3A = tpu.sem_alloc : memref<!tpu.dma_semaphore, #tpu.memory_space<semaphore_mem>>
      %dma_start3A = arith.constant 0 : i32
      %dma_start3A_126 = tpu.memref_slice %arg4[%add3A_97, %dma_start3A] : memref<20480x128xf32, #tpu.memory_space<hbm>> -> memref<128x128xf32, #tpu.memory_space<hbm>>
      %dma_start3A_127 = arith.constant 0 : i32
      %dma_start3A_128 = tpu.memref_slice %arg9[%add3A_94, %dma_start3A_127] : memref<10240x128xf32, #tpu.memory_space<vmem_shared>> -> memref<128x128xf32, #tpu.memory_space<vmem_shared>>
      tpu.enqueue_dma source(%dma_start3A_128 : memref<128x128xf32, #tpu.memory_space<vmem_shared>>) target(%dma_start3A_126 : memref<128x128xf32, #tpu.memory_space<hbm>>) target_semaphore(%run_scoped3A : memref<!tpu.dma_semaphore, #tpu.memory_space<semaphore_mem>>)
      %dma_wait3A = arith.constant 0 : i32
      %dma_wait3A_129 = tpu.memref_slice %arg4[%add3A_97, %dma_wait3A] : memref<20480x128xf32, #tpu.memory_space<hbm>> -> memref<128x128xf32, #tpu.memory_space<hbm>>
      %dma_wait3A_130 = arith.constant 0 : i32
      %dma_wait3A_131 = tpu.memref_slice %arg9[%add3A_94, %dma_wait3A_130] : memref<10240x128xf32, #tpu.memory_space<vmem_shared>> -> memref<128x128xf32, #tpu.memory_space<vmem_shared>>
      tpu.wait_dma2 semaphore(%run_scoped3A : memref<!tpu.dma_semaphore, #tpu.memory_space<semaphore_mem>>) src(%dma_wait3A_131 : memref<128x128xf32, #tpu.memory_space<vmem_shared>>) dst(%dma_wait3A_129 : memref<128x128xf32, #tpu.memory_space<hbm>>)
      tpu.yield
    }) : () -> ()
    %mul3A_98 = arith.constant 640 : i32
    %mul3A_99 = arith.muli %arg1, %mul3A_98 : i32
    %add3A_100 = arith.constant 128 : i32
    %add3A_101 = arith.addi %mul3A_99, %add3A_100 : i32
    %mul3A_102 = arith.constant 10240 : i32
    %mul3A_103 = arith.muli %arg0, %mul3A_102 : i32
    %add3A_104 = arith.addi %mul3A_103, %add3A_101 : i32
    "tpu.region"() ({
      %run_scoped3A = tpu.sem_alloc : memref<!tpu.dma_semaphore, #tpu.memory_space<semaphore_mem>>
      %dma_start3A = arith.constant 0 : i32
      %dma_start3A_126 = tpu.memref_slice %arg4[%add3A_104, %dma_start3A] : memref<20480x128xf32, #tpu.memory_space<hbm>> -> memref<128x128xf32, #tpu.memory_space<hbm>>
      %dma_start3A_127 = arith.constant 0 : i32
      %dma_start3A_128 = tpu.memref_slice %arg9[%add3A_101, %dma_start3A_127] : memref<10240x128xf32, #tpu.memory_space<vmem_shared>> -> memref<128x128xf32, #tpu.memory_space<vmem_shared>>
      tpu.enqueue_dma source(%dma_start3A_128 : memref<128x128xf32, #tpu.memory_space<vmem_shared>>) target(%dma_start3A_126 : memref<128x128xf32, #tpu.memory_space<hbm>>) target_semaphore(%run_scoped3A : memref<!tpu.dma_semaphore, #tpu.memory_space<semaphore_mem>>)
      %dma_wait3A = arith.constant 0 : i32
      %dma_wait3A_129 = tpu.memref_slice %arg4[%add3A_104, %dma_wait3A] : memref<20480x128xf32, #tpu.memory_space<hbm>> -> memref<128x128xf32, #tpu.memory_space<hbm>>
      %dma_wait3A_130 = arith.constant 0 : i32
      %dma_wait3A_131 = tpu.memref_slice %arg9[%add3A_101, %dma_wait3A_130] : memref<10240x128xf32, #tpu.memory_space<vmem_shared>> -> memref<128x128xf32, #tpu.memory_space<vmem_shared>>
      tpu.wait_dma2 semaphore(%run_scoped3A : memref<!tpu.dma_semaphore, #tpu.memory_space<semaphore_mem>>) src(%dma_wait3A_131 : memref<128x128xf32, #tpu.memory_space<vmem_shared>>) dst(%dma_wait3A_129 : memref<128x128xf32, #tpu.memory_space<hbm>>)
      tpu.yield
    }) : () -> ()
    %mul3A_105 = arith.constant 640 : i32
    %mul3A_106 = arith.muli %arg1, %mul3A_105 : i32
    %add3A_107 = arith.constant 256 : i32
    %add3A_108 = arith.addi %mul3A_106, %add3A_107 : i32
    %mul3A_109 = arith.constant 10240 : i32
    %mul3A_110 = arith.muli %arg0, %mul3A_109 : i32
    %add3A_111 = arith.addi %mul3A_110, %add3A_108 : i32
    "tpu.region"() ({
      %run_scoped3A = tpu.sem_alloc : memref<!tpu.dma_semaphore, #tpu.memory_space<semaphore_mem>>
      %dma_start3A = arith.constant 0 : i32
      %dma_start3A_126 = tpu.memref_slice %arg4[%add3A_111, %dma_start3A] : memref<20480x128xf32, #tpu.memory_space<hbm>> -> memref<128x128xf32, #tpu.memory_space<hbm>>
      %dma_start3A_127 = arith.constant 0 : i32
      %dma_start3A_128 = tpu.memref_slice %arg9[%add3A_108, %dma_start3A_127] : memref<10240x128xf32, #tpu.memory_space<vmem_shared>> -> memref<128x128xf32, #tpu.memory_space<vmem_shared>>
      tpu.enqueue_dma source(%dma_start3A_128 : memref<128x128xf32, #tpu.memory_space<vmem_shared>>) target(%dma_start3A_126 : memref<128x128xf32, #tpu.memory_space<hbm>>) target_semaphore(%run_scoped3A : memref<!tpu.dma_semaphore, #tpu.memory_space<semaphore_mem>>)
      %dma_wait3A = arith.constant 0 : i32
      %dma_wait3A_129 = tpu.memref_slice %arg4[%add3A_111, %dma_wait3A] : memref<20480x128xf32, #tpu.memory_space<hbm>> -> memref<128x128xf32, #tpu.memory_space<hbm>>
      %dma_wait3A_130 = arith.constant 0 : i32
      %dma_wait3A_131 = tpu.memref_slice %arg9[%add3A_108, %dma_wait3A_130] : memref<10240x128xf32, #tpu.memory_space<vmem_shared>> -> memref<128x128xf32, #tpu.memory_space<vmem_shared>>
      tpu.wait_dma2 semaphore(%run_scoped3A : memref<!tpu.dma_semaphore, #tpu.memory_space<semaphore_mem>>) src(%dma_wait3A_131 : memref<128x128xf32, #tpu.memory_space<vmem_shared>>) dst(%dma_wait3A_129 : memref<128x128xf32, #tpu.memory_space<hbm>>)
      tpu.yield
    }) : () -> ()
    %mul3A_112 = arith.constant 640 : i32
    %mul3A_113 = arith.muli %arg1, %mul3A_112 : i32
    %add3A_114 = arith.constant 384 : i32
    %add3A_115 = arith.addi %mul3A_113, %add3A_114 : i32
    %mul3A_116 = arith.constant 10240 : i32
    %mul3A_117 = arith.muli %arg0, %mul3A_116 : i32
    %add3A_118 = arith.addi %mul3A_117, %add3A_115 : i32
    "tpu.region"() ({
      %run_scoped3A = tpu.sem_alloc : memref<!tpu.dma_semaphore, #tpu.memory_space<semaphore_mem>>
      %dma_start3A = arith.constant 0 : i32
      %dma_start3A_126 = tpu.memref_slice %arg4[%add3A_118, %dma_start3A] : memref<20480x128xf32, #tpu.memory_space<hbm>> -> memref<128x128xf32, #tpu.memory_space<hbm>>
      %dma_start3A_127 = arith.constant 0 : i32
      %dma_start3A_128 = tpu.memref_slice %arg9[%add3A_115, %dma_start3A_127] : memref<10240x128xf32, #tpu.memory_space<vmem_shared>> -> memref<128x128xf32, #tpu.memory_space<vmem_shared>>
      tpu.enqueue_dma source(%dma_start3A_128 : memref<128x128xf32, #tpu.memory_space<vmem_shared>>) target(%dma_start3A_126 : memref<128x128xf32, #tpu.memory_space<hbm>>) target_semaphore(%run_scoped3A : memref<!tpu.dma_semaphore, #tpu.memory_space<semaphore_mem>>)
      %dma_wait3A = arith.constant 0 : i32
      %dma_wait3A_129 = tpu.memref_slice %arg4[%add3A_118, %dma_wait3A] : memref<20480x128xf32, #tpu.memory_space<hbm>> -> memref<128x128xf32, #tpu.memory_space<hbm>>
      %dma_wait3A_130 = arith.constant 0 : i32
      %dma_wait3A_131 = tpu.memref_slice %arg9[%add3A_115, %dma_wait3A_130] : memref<10240x128xf32, #tpu.memory_space<vmem_shared>> -> memref<128x128xf32, #tpu.memory_space<vmem_shared>>
      tpu.wait_dma2 semaphore(%run_scoped3A : memref<!tpu.dma_semaphore, #tpu.memory_space<semaphore_mem>>) src(%dma_wait3A_131 : memref<128x128xf32, #tpu.memory_space<vmem_shared>>) dst(%dma_wait3A_129 : memref<128x128xf32, #tpu.memory_space<hbm>>)
      tpu.yield
    }) : () -> ()
    %mul3A_119 = arith.constant 640 : i32
    %mul3A_120 = arith.muli %arg1, %mul3A_119 : i32
    %add3A_121 = arith.constant 512 : i32
    %add3A_122 = arith.addi %mul3A_120, %add3A_121 : i32
    %mul3A_123 = arith.constant 10240 : i32
    %mul3A_124 = arith.muli %arg0, %mul3A_123 : i32
    %add3A_125 = arith.addi %mul3A_124, %add3A_122 : i32
    "tpu.region"() ({
      %run_scoped3A = tpu.sem_alloc : memref<!tpu.dma_semaphore, #tpu.memory_space<semaphore_mem>>
      %dma_start3A = arith.constant 0 : i32
      %dma_start3A_126 = tpu.memref_slice %arg4[%add3A_125, %dma_start3A] : memref<20480x128xf32, #tpu.memory_space<hbm>> -> memref<128x128xf32, #tpu.memory_space<hbm>>
      %dma_start3A_127 = arith.constant 0 : i32
      %dma_start3A_128 = tpu.memref_slice %arg9[%add3A_122, %dma_start3A_127] : memref<10240x128xf32, #tpu.memory_space<vmem_shared>> -> memref<128x128xf32, #tpu.memory_space<vmem_shared>>
      tpu.enqueue_dma source(%dma_start3A_128 : memref<128x128xf32, #tpu.memory_space<vmem_shared>>) target(%dma_start3A_126 : memref<128x128xf32, #tpu.memory_space<hbm>>) target_semaphore(%run_scoped3A : memref<!tpu.dma_semaphore, #tpu.memory_space<semaphore_mem>>)
      %dma_wait3A = arith.constant 0 : i32
      %dma_wait3A_129 = tpu.memref_slice %arg4[%add3A_125, %dma_wait3A] : memref<20480x128xf32, #tpu.memory_space<hbm>> -> memref<128x128xf32, #tpu.memory_space<hbm>>
      %dma_wait3A_130 = arith.constant 0 : i32
      %dma_wait3A_131 = tpu.memref_slice %arg9[%add3A_122, %dma_wait3A_130] : memref<10240x128xf32, #tpu.memory_space<vmem_shared>> -> memref<128x128xf32, #tpu.memory_space<vmem_shared>>
      tpu.wait_dma2 semaphore(%run_scoped3A : memref<!tpu.dma_semaphore, #tpu.memory_space<semaphore_mem>>) src(%dma_wait3A_131 : memref<128x128xf32, #tpu.memory_space<vmem_shared>>) dst(%dma_wait3A_129 : memref<128x128xf32, #tpu.memory_space<hbm>>)
      tpu.yield
    }) : () -> ()
    return
  }
}

module attributes {stable_mosaic.version = 14 : i64} {
  func.func @_mlp_body(%arg0: i32, %arg1: memref<1x1xf32, #tpu.memory_space<vmem>>, %arg2: memref<1024x128xf32, #tpu.memory_space<vmem>>, %arg3: memref<1024x128xf32, #tpu.memory_space<vmem>>, %arg4: memref<1024x128xf32, #tpu.memory_space<vmem>>, %arg5: memref<128x128xf32, #tpu.memory_space<vmem>>, %arg6: memref<1x128xf32, #tpu.memory_space<vmem>>, %arg7: memref<1x128xf32, #tpu.memory_space<vmem>>, %arg8: memref<1x128xf32, #tpu.memory_space<vmem>>, %arg9: memref<128x128xf32, #tpu.memory_space<vmem>>, %arg10: memref<1x128xf32, #tpu.memory_space<vmem>>, %arg11: memref<1x128xf32, #tpu.memory_space<vmem>>, %arg12: memref<1x128xf32, #tpu.memory_space<vmem>>, %arg13: memref<128x128xf32, #tpu.memory_space<vmem>>, %arg14: memref<1x128xf32, #tpu.memory_space<vmem>>, %arg15: memref<1x128xf32, #tpu.memory_space<vmem>>, %arg16: memref<1x128xf32, #tpu.memory_space<vmem>>, %arg17: memref<1024x128xf32, #tpu.memory_space<vmem>>) attributes {dimension_semantics = [#tpu.dimension_semantics<arbitrary>], iteration_bounds = array<i64: 10>, scalar_prefetch = 0 : i64, scratch_operands = 0 : i64, tpu.core_type = #tpu.core_type<tc>, window_params = [{pipeline_mode = #tpu.pipeline_mode<synchronous>, transform_indices = @transform_0, window_bounds = array<i64: 1, 1>}, {transform_indices = @transform_1, window_bounds = array<i64: 1024, 128>}, {transform_indices = @transform_2, window_bounds = array<i64: 1024, 128>}, {transform_indices = @transform_3, window_bounds = array<i64: 1024, 128>}, {pipeline_mode = #tpu.pipeline_mode<synchronous>, transform_indices = @transform_4, window_bounds = array<i64: 128, 128>}, {pipeline_mode = #tpu.pipeline_mode<synchronous>, transform_indices = @transform_5, window_bounds = array<i64: 1, 128>}, {pipeline_mode = #tpu.pipeline_mode<synchronous>, transform_indices = @transform_6, window_bounds = array<i64: 1, 128>}, {pipeline_mode = #tpu.pipeline_mode<synchronous>, transform_indices = @transform_7, window_bounds = array<i64: 1, 128>}, {pipeline_mode = #tpu.pipeline_mode<synchronous>, transform_indices = @transform_8, window_bounds = array<i64: 128, 128>}, {pipeline_mode = #tpu.pipeline_mode<synchronous>, transform_indices = @transform_9, window_bounds = array<i64: 1, 128>}, {pipeline_mode = #tpu.pipeline_mode<synchronous>, transform_indices = @transform_10, window_bounds = array<i64: 1, 128>}, {pipeline_mode = #tpu.pipeline_mode<synchronous>, transform_indices = @transform_11, window_bounds = array<i64: 1, 128>}, {pipeline_mode = #tpu.pipeline_mode<synchronous>, transform_indices = @transform_12, window_bounds = array<i64: 128, 128>}, {pipeline_mode = #tpu.pipeline_mode<synchronous>, transform_indices = @transform_13, window_bounds = array<i64: 1, 128>}, {pipeline_mode = #tpu.pipeline_mode<synchronous>, transform_indices = @transform_14, window_bounds = array<i64: 1, 128>}, {pipeline_mode = #tpu.pipeline_mode<synchronous>, transform_indices = @transform_15, window_bounds = array<i64: 1, 128>}, {transform_indices = @transform_16, window_bounds = array<i64: 1024, 128>}]} {
    %get3A = arith.constant 0 : index
    %get3A_0 = arith.constant 0 : index
    %get3A_1 = vector.load %arg1[%get3A, %get3A_0] : memref<1x1xf32, #tpu.memory_space<vmem>>, vector<1x1xf32>
    %get3A_2 = vector.extract %get3A_1[0, 0] : f32 from vector<1x1xf32>
    %get3A_3 = arith.constant 0 : index
    %get3A_4 = arith.constant 0 : index
    %get3A_5 = vector.load %arg2[%get3A_3, %get3A_4] : memref<1024x128xf32, #tpu.memory_space<vmem>>, vector<1024x128xf32>
    %mul3A = vector.broadcast %get3A_2 : f32 to vector<1024x128xf32>
    %mul3A_6 = arith.mulf %mul3A, %get3A_5 : vector<1024x128xf32>
    %get3A_7 = arith.constant 0 : index
    %get3A_8 = arith.constant 0 : index
    %get3A_9 = vector.load %arg3[%get3A_7, %get3A_8] : memref<1024x128xf32, #tpu.memory_space<vmem>>, vector<1024x128xf32>
    %add3A = arith.addf %mul3A_6, %get3A_9 : vector<1024x128xf32>
    %get3A_10 = arith.constant 0 : index
    %get3A_11 = arith.constant 0 : index
    %get3A_12 = vector.load %arg4[%get3A_10, %get3A_11] : memref<1024x128xf32, #tpu.memory_space<vmem>>, vector<1024x128xf32>
    %add3A_13 = arith.addf %add3A, %get3A_12 : vector<1024x128xf32>
    %get3A_14 = arith.constant 0 : index
    %get3A_15 = arith.constant 0 : index
    %get3A_16 = vector.load %arg5[%get3A_14, %get3A_15] : memref<128x128xf32, #tpu.memory_space<vmem>>, vector<128x128xf32>
    %dot_general3A = arith.constant dense<0.000000e+00> : vector<1024x128xf32>
    %dot_general3A_17 = tpu.matmul %add3A_13, %get3A_16, %dot_general3A {dimension_numbers = #tpu.dot_dimension_numbers<[1], [1], [0], [0], [0, 0, 1, 0], [], []>, transpose_lhs_hint = false} : vector<1024x128xf32>, vector<128x128xf32>, vector<1024x128xf32> -> vector<1024x128xf32>
    %get3A_18 = arith.constant 0 : index
    %get3A_19 = arith.constant 0 : index
    %get3A_20 = vector.load %arg6[%get3A_18, %get3A_19] : memref<1x128xf32, #tpu.memory_space<vmem>>, vector<1x128xf32>
    %add3A_21 = vector.broadcast %get3A_20 : vector<1x128xf32> to vector<1024x128xf32>
    %add3A_22 = arith.addf %dot_general3A_17, %add3A_21 : vector<1024x128xf32>
    %get3A_23 = arith.constant 0 : index
    %get3A_24 = arith.constant 0 : index
    %get3A_25 = vector.load %arg7[%get3A_23, %get3A_24] : memref<1x128xf32, #tpu.memory_space<vmem>>, vector<1x128xf32>
    %get3A_26 = arith.constant 0 : index
    %get3A_27 = arith.constant 0 : index
    %get3A_28 = vector.load %arg8[%get3A_26, %get3A_27] : memref<1x128xf32, #tpu.memory_space<vmem>>, vector<1x128xf32>
    %reduce_sum3A = arith.constant dense<0.000000e+00> : vector<1024xf32>
    %reduce_sum3A_29 = vector.multi_reduction <add>, %add3A_22, %reduce_sum3A [1] : vector<1024x128xf32> to vector<1024xf32>
    %broadcast_in_dim3A = vector.shape_cast %reduce_sum3A_29 : vector<1024xf32> to vector<1024x1xf32>
    %div3A = arith.constant 1.280000e+02 : f32
    %div3A_30 = vector.broadcast %div3A : f32 to vector<1024x1xf32>
    %div3A_31 = arith.divf %broadcast_in_dim3A, %div3A_30 : vector<1024x1xf32>
    %sub3A = vector.broadcast %div3A_31 : vector<1024x1xf32> to vector<1024x128xf32>
    %sub3A_32 = arith.subf %add3A_22, %sub3A : vector<1024x128xf32>
    %mul3A_33 = arith.mulf %sub3A_32, %sub3A_32 : vector<1024x128xf32>
    %reduce_sum3A_34 = arith.constant dense<0.000000e+00> : vector<1024xf32>
    %reduce_sum3A_35 = vector.multi_reduction <add>, %mul3A_33, %reduce_sum3A_34 [1] : vector<1024x128xf32> to vector<1024xf32>
    %broadcast_in_dim3A_36 = vector.shape_cast %reduce_sum3A_35 : vector<1024xf32> to vector<1024x1xf32>
    %div3A_37 = arith.constant 1.280000e+02 : f32
    %div3A_38 = vector.broadcast %div3A_37 : f32 to vector<1024x1xf32>
    %div3A_39 = arith.divf %broadcast_in_dim3A_36, %div3A_38 : vector<1024x1xf32>
    %add3A_40 = arith.constant 9.99999974E-6 : f32
    %add3A_41 = vector.broadcast %add3A_40 : f32 to vector<1024x1xf32>
    %add3A_42 = arith.addf %div3A_39, %add3A_41 : vector<1024x1xf32>
    %rsqrt3A = math.rsqrt %add3A_42 : vector<1024x1xf32>
    %mul3A_43 = vector.broadcast %rsqrt3A : vector<1024x1xf32> to vector<1024x128xf32>
    %mul3A_44 = arith.mulf %sub3A_32, %mul3A_43 : vector<1024x128xf32>
    %mul3A_45 = vector.broadcast %get3A_25 : vector<1x128xf32> to vector<1024x128xf32>
    %mul3A_46 = arith.mulf %mul3A_44, %mul3A_45 : vector<1024x128xf32>
    %add3A_47 = vector.broadcast %get3A_28 : vector<1x128xf32> to vector<1024x128xf32>
    %add3A_48 = arith.addf %mul3A_46, %add3A_47 : vector<1024x128xf32>
    %max3A = arith.constant 0.000000e+00 : f32
    %max3A_49 = vector.broadcast %max3A : f32 to vector<1024x128xf32>
    %max3A_50 = arith.maximumf %add3A_48, %max3A_49 : vector<1024x128xf32>
    %get3A_51 = arith.constant 0 : index
    %get3A_52 = arith.constant 0 : index
    %get3A_53 = vector.load %arg9[%get3A_51, %get3A_52] : memref<128x128xf32, #tpu.memory_space<vmem>>, vector<128x128xf32>
    %dot_general3A_54 = arith.constant dense<0.000000e+00> : vector<1024x128xf32>
    %dot_general3A_55 = tpu.matmul %max3A_50, %get3A_53, %dot_general3A_54 {dimension_numbers = #tpu.dot_dimension_numbers<[1], [1], [0], [0], [0, 0, 1, 0], [], []>, transpose_lhs_hint = false} : vector<1024x128xf32>, vector<128x128xf32>, vector<1024x128xf32> -> vector<1024x128xf32>
    %get3A_56 = arith.constant 0 : index
    %get3A_57 = arith.constant 0 : index
    %get3A_58 = vector.load %arg10[%get3A_56, %get3A_57] : memref<1x128xf32, #tpu.memory_space<vmem>>, vector<1x128xf32>
    %add3A_59 = vector.broadcast %get3A_58 : vector<1x128xf32> to vector<1024x128xf32>
    %add3A_60 = arith.addf %dot_general3A_55, %add3A_59 : vector<1024x128xf32>
    %get3A_61 = arith.constant 0 : index
    %get3A_62 = arith.constant 0 : index
    %get3A_63 = vector.load %arg11[%get3A_61, %get3A_62] : memref<1x128xf32, #tpu.memory_space<vmem>>, vector<1x128xf32>
    %get3A_64 = arith.constant 0 : index
    %get3A_65 = arith.constant 0 : index
    %get3A_66 = vector.load %arg12[%get3A_64, %get3A_65] : memref<1x128xf32, #tpu.memory_space<vmem>>, vector<1x128xf32>
    %reduce_sum3A_67 = arith.constant dense<0.000000e+00> : vector<1024xf32>
    %reduce_sum3A_68 = vector.multi_reduction <add>, %add3A_60, %reduce_sum3A_67 [1] : vector<1024x128xf32> to vector<1024xf32>
    %broadcast_in_dim3A_69 = vector.shape_cast %reduce_sum3A_68 : vector<1024xf32> to vector<1024x1xf32>
    %div3A_70 = arith.constant 1.280000e+02 : f32
    %div3A_71 = vector.broadcast %div3A_70 : f32 to vector<1024x1xf32>
    %div3A_72 = arith.divf %broadcast_in_dim3A_69, %div3A_71 : vector<1024x1xf32>
    %sub3A_73 = vector.broadcast %div3A_72 : vector<1024x1xf32> to vector<1024x128xf32>
    %sub3A_74 = arith.subf %add3A_60, %sub3A_73 : vector<1024x128xf32>
    %mul3A_75 = arith.mulf %sub3A_74, %sub3A_74 : vector<1024x128xf32>
    %reduce_sum3A_76 = arith.constant dense<0.000000e+00> : vector<1024xf32>
    %reduce_sum3A_77 = vector.multi_reduction <add>, %mul3A_75, %reduce_sum3A_76 [1] : vector<1024x128xf32> to vector<1024xf32>
    %broadcast_in_dim3A_78 = vector.shape_cast %reduce_sum3A_77 : vector<1024xf32> to vector<1024x1xf32>
    %div3A_79 = arith.constant 1.280000e+02 : f32
    %div3A_80 = vector.broadcast %div3A_79 : f32 to vector<1024x1xf32>
    %div3A_81 = arith.divf %broadcast_in_dim3A_78, %div3A_80 : vector<1024x1xf32>
    %add3A_82 = arith.constant 9.99999974E-6 : f32
    %add3A_83 = vector.broadcast %add3A_82 : f32 to vector<1024x1xf32>
    %add3A_84 = arith.addf %div3A_81, %add3A_83 : vector<1024x1xf32>
    %rsqrt3A_85 = math.rsqrt %add3A_84 : vector<1024x1xf32>
    %mul3A_86 = vector.broadcast %rsqrt3A_85 : vector<1024x1xf32> to vector<1024x128xf32>
    %mul3A_87 = arith.mulf %sub3A_74, %mul3A_86 : vector<1024x128xf32>
    %mul3A_88 = vector.broadcast %get3A_63 : vector<1x128xf32> to vector<1024x128xf32>
    %mul3A_89 = arith.mulf %mul3A_87, %mul3A_88 : vector<1024x128xf32>
    %add3A_90 = vector.broadcast %get3A_66 : vector<1x128xf32> to vector<1024x128xf32>
    %add3A_91 = arith.addf %mul3A_89, %add3A_90 : vector<1024x128xf32>
    %max3A_92 = arith.constant 0.000000e+00 : f32
    %max3A_93 = vector.broadcast %max3A_92 : f32 to vector<1024x128xf32>
    %max3A_94 = arith.maximumf %add3A_91, %max3A_93 : vector<1024x128xf32>
    %get3A_95 = arith.constant 0 : index
    %get3A_96 = arith.constant 0 : index
    %get3A_97 = vector.load %arg13[%get3A_95, %get3A_96] : memref<128x128xf32, #tpu.memory_space<vmem>>, vector<128x128xf32>
    %dot_general3A_98 = arith.constant dense<0.000000e+00> : vector<1024x128xf32>
    %dot_general3A_99 = tpu.matmul %max3A_94, %get3A_97, %dot_general3A_98 {dimension_numbers = #tpu.dot_dimension_numbers<[1], [1], [0], [0], [0, 0, 1, 0], [], []>, transpose_lhs_hint = false} : vector<1024x128xf32>, vector<128x128xf32>, vector<1024x128xf32> -> vector<1024x128xf32>
    %get3A_100 = arith.constant 0 : index
    %get3A_101 = arith.constant 0 : index
    %get3A_102 = vector.load %arg14[%get3A_100, %get3A_101] : memref<1x128xf32, #tpu.memory_space<vmem>>, vector<1x128xf32>
    %add3A_103 = vector.broadcast %get3A_102 : vector<1x128xf32> to vector<1024x128xf32>
    %add3A_104 = arith.addf %dot_general3A_99, %add3A_103 : vector<1024x128xf32>
    %get3A_105 = arith.constant 0 : index
    %get3A_106 = arith.constant 0 : index
    %get3A_107 = vector.load %arg15[%get3A_105, %get3A_106] : memref<1x128xf32, #tpu.memory_space<vmem>>, vector<1x128xf32>
    %get3A_108 = arith.constant 0 : index
    %get3A_109 = arith.constant 0 : index
    %get3A_110 = vector.load %arg16[%get3A_108, %get3A_109] : memref<1x128xf32, #tpu.memory_space<vmem>>, vector<1x128xf32>
    %reduce_sum3A_111 = arith.constant dense<0.000000e+00> : vector<1024xf32>
    %reduce_sum3A_112 = vector.multi_reduction <add>, %add3A_104, %reduce_sum3A_111 [1] : vector<1024x128xf32> to vector<1024xf32>
    %broadcast_in_dim3A_113 = vector.shape_cast %reduce_sum3A_112 : vector<1024xf32> to vector<1024x1xf32>
    %div3A_114 = arith.constant 1.280000e+02 : f32
    %div3A_115 = vector.broadcast %div3A_114 : f32 to vector<1024x1xf32>
    %div3A_116 = arith.divf %broadcast_in_dim3A_113, %div3A_115 : vector<1024x1xf32>
    %sub3A_117 = vector.broadcast %div3A_116 : vector<1024x1xf32> to vector<1024x128xf32>
    %sub3A_118 = arith.subf %add3A_104, %sub3A_117 : vector<1024x128xf32>
    %mul3A_119 = arith.mulf %sub3A_118, %sub3A_118 : vector<1024x128xf32>
    %reduce_sum3A_120 = arith.constant dense<0.000000e+00> : vector<1024xf32>
    %reduce_sum3A_121 = vector.multi_reduction <add>, %mul3A_119, %reduce_sum3A_120 [1] : vector<1024x128xf32> to vector<1024xf32>
    %broadcast_in_dim3A_122 = vector.shape_cast %reduce_sum3A_121 : vector<1024xf32> to vector<1024x1xf32>
    %div3A_123 = arith.constant 1.280000e+02 : f32
    %div3A_124 = vector.broadcast %div3A_123 : f32 to vector<1024x1xf32>
    %div3A_125 = arith.divf %broadcast_in_dim3A_122, %div3A_124 : vector<1024x1xf32>
    %add3A_126 = arith.constant 9.99999974E-6 : f32
    %add3A_127 = vector.broadcast %add3A_126 : f32 to vector<1024x1xf32>
    %add3A_128 = arith.addf %div3A_125, %add3A_127 : vector<1024x1xf32>
    %rsqrt3A_129 = math.rsqrt %add3A_128 : vector<1024x1xf32>
    %mul3A_130 = vector.broadcast %rsqrt3A_129 : vector<1024x1xf32> to vector<1024x128xf32>
    %mul3A_131 = arith.mulf %sub3A_118, %mul3A_130 : vector<1024x128xf32>
    %mul3A_132 = vector.broadcast %get3A_107 : vector<1x128xf32> to vector<1024x128xf32>
    %mul3A_133 = arith.mulf %mul3A_131, %mul3A_132 : vector<1024x128xf32>
    %add3A_134 = vector.broadcast %get3A_110 : vector<1x128xf32> to vector<1024x128xf32>
    %add3A_135 = arith.addf %mul3A_133, %add3A_134 : vector<1024x128xf32>
    %max3A_136 = arith.constant 0.000000e+00 : f32
    %max3A_137 = vector.broadcast %max3A_136 : f32 to vector<1024x128xf32>
    %max3A_138 = arith.maximumf %add3A_135, %max3A_137 : vector<1024x128xf32>
    %swap3A = arith.constant 0 : index
    %swap3A_139 = arith.constant 0 : index
    %swap3A_140 = vector.load %arg17[%swap3A, %swap3A_139] : memref<1024x128xf32, #tpu.memory_space<vmem>>, vector<1024x128xf32>
    tpu.vector_store %arg17[%swap3A, %swap3A_139], %max3A_138 {strides = array<i32>} : memref<1024x128xf32, #tpu.memory_space<vmem>>, vector<1024x128xf32>,
    return
  }
  func.func @transform_0(%arg0: i32) -> (i32, i32) {
    %c0_i32 = arith.constant 0 : i32
    %c0_i32_0 = arith.constant 0 : i32
    %c0_i32_1 = arith.constant 0 : i32
    return %c0_i32, %c0_i32_0 : i32, i32
  }
  func.func @transform_1(%arg0: i32) -> (i32, i32) {
    %c0_i32 = arith.constant 0 : i32
    %c0_i32_0 = arith.constant 0 : i32
    return %arg0, %c0_i32 : i32, i32
  }
  func.func @transform_2(%arg0: i32) -> (i32, i32) {
    %c0_i32 = arith.constant 0 : i32
    %c0_i32_0 = arith.constant 0 : i32
    return %arg0, %c0_i32 : i32, i32
  }
  func.func @transform_3(%arg0: i32) -> (i32, i32) {
    %add3A = arith.constant 10 : i32
    %add3A_0 = arith.addi %add3A, %arg0 : i32
    %c0_i32 = arith.constant 0 : i32
    %c0_i32_1 = arith.constant 0 : i32
    return %add3A_0, %c0_i32 : i32, i32
  }
  func.func @transform_4(%arg0: i32) -> (i32, i32) {
    %c0_i32 = arith.constant 0 : i32
    %c0_i32_0 = arith.constant 0 : i32
    %c0_i32_1 = arith.constant 0 : i32
    return %c0_i32, %c0_i32_0 : i32, i32
  }
  func.func @transform_5(%arg0: i32) -> (i32, i32) {
    %c0_i32 = arith.constant 0 : i32
    %c0_i32_0 = arith.constant 0 : i32
    %c0_i32_1 = arith.constant 0 : i32
    return %c0_i32, %c0_i32_0 : i32, i32
  }
  func.func @transform_6(%arg0: i32) -> (i32, i32) {
    %c0_i32 = arith.constant 0 : i32
    %c0_i32_0 = arith.constant 0 : i32
    %c0_i32_1 = arith.constant 0 : i32
    return %c0_i32, %c0_i32_0 : i32, i32
  }
  func.func @transform_7(%arg0: i32) -> (i32, i32) {
    %c0_i32 = arith.constant 0 : i32
    %c0_i32_0 = arith.constant 0 : i32
    %c0_i32_1 = arith.constant 0 : i32
    return %c0_i32, %c0_i32_0 : i32, i32
  }
  func.func @transform_8(%arg0: i32) -> (i32, i32) {
    %c0_i32 = arith.constant 0 : i32
    %c0_i32_0 = arith.constant 0 : i32
    %c0_i32_1 = arith.constant 0 : i32
    return %c0_i32, %c0_i32_0 : i32, i32
  }
  func.func @transform_9(%arg0: i32) -> (i32, i32) {
    %c0_i32 = arith.constant 0 : i32
    %c0_i32_0 = arith.constant 0 : i32
    %c0_i32_1 = arith.constant 0 : i32
    return %c0_i32, %c0_i32_0 : i32, i32
  }
  func.func @transform_10(%arg0: i32) -> (i32, i32) {
    %c0_i32 = arith.constant 0 : i32
    %c0_i32_0 = arith.constant 0 : i32
    %c0_i32_1 = arith.constant 0 : i32
    return %c0_i32, %c0_i32_0 : i32, i32
  }
  func.func @transform_11(%arg0: i32) -> (i32, i32) {
    %c0_i32 = arith.constant 0 : i32
    %c0_i32_0 = arith.constant 0 : i32
    %c0_i32_1 = arith.constant 0 : i32
    return %c0_i32, %c0_i32_0 : i32, i32
  }
  func.func @transform_12(%arg0: i32) -> (i32, i32) {
    %c0_i32 = arith.constant 0 : i32
    %c0_i32_0 = arith.constant 0 : i32
    %c0_i32_1 = arith.constant 0 : i32
    return %c0_i32, %c0_i32_0 : i32, i32
  }
  func.func @transform_13(%arg0: i32) -> (i32, i32) {
    %c0_i32 = arith.constant 0 : i32
    %c0_i32_0 = arith.constant 0 : i32
    %c0_i32_1 = arith.constant 0 : i32
    return %c0_i32, %c0_i32_0 : i32, i32
  }
  func.func @transform_14(%arg0: i32) -> (i32, i32) {
    %c0_i32 = arith.constant 0 : i32
    %c0_i32_0 = arith.constant 0 : i32
    %c0_i32_1 = arith.constant 0 : i32
    return %c0_i32, %c0_i32_0 : i32, i32
  }
  func.func @transform_15(%arg0: i32) -> (i32, i32) {
    %c0_i32 = arith.constant 0 : i32
    %c0_i32_0 = arith.constant 0 : i32
    %c0_i32_1 = arith.constant 0 : i32
    return %c0_i32, %c0_i32_0 : i32, i32
  }
  func.func @transform_16(%arg0: i32) -> (i32, i32) {
    %c0_i32 = arith.constant 0 : i32
    %c0_i32_0 = arith.constant 0 : i32
    return %arg0, %c0_i32 : i32, i32
  }
}

</mosaic_0001>

<sc_bundles>
// kernel: kernel.4.cloned.1.call-start
scs
__scs_entry_jumppad:
0x0: {  	(pc) =	sbr.rel $0x88, $3  }
0x1: {  	(tag) =	ssettag $0x0;
	lr =	simm.s32 $0x1  }
0x2: {  	[smem:$0x3F92] =	sst lr;
	_ =	strace $0xD0000000  }
0x3: {  	_ = 	snop  }
0x4: {  	_ = 	snop  }
0x5: {  	_ = 	snop  }
0x6: {  	_ = 	snop  }
0x7: {  	_ = 	snop  }
__scs_overlays_trampoline_lowered:
0x8: {  	[smem:$0x3FA1] =	sst s0  }
0x9: {  	[smem:$0x3FA2] =	sst s1  }
0xa: {  	[smem:$0x3FA3] =	sst s2  }
0xb: {  	[smem:$0x3FA4] =	sst s3  }
0xc: {  	[smem:$0x3FA5] =	sst s4  }
0xd: {  	[smem:$0x3FA6] =	sst s5  }
0xe: {  	[smem:$0x3FA7] =	sst s6  }
0xf: {  	[smem:$0x3FA8] =	sst s7  }
0x10: {  	[smem:$0x3FA9] =	sst s8  }
0x11: {  	[smem:$0x3FAA] =	sst s9;
	s0 =	simm.s32 @!p0 $0x0  }
0x12: {  	s1 =	sld [smem:$0x3F90];
	s0 =	simm.s32 @p0 $0x1  }
0x13: {  	[smem:$0x3FAB] =	sst s0;
	s0 =	simm.s32 @!p1 $0x0  }
0x14: {  	s2 =	sld [smem:$0x3F8F];
	s0 =	simm.s32 @p1 $0x1  }
0x15: {  	[smem:$0x3FAC] =	sst s0;
	s0 =	simm.s32 @!p2 $0x0  }
0x16: {  	s3 =	sld [smem:$0x3FDB];
	s0 =	simm.s32 @p2 $0x1  }
0x17: {  	s4 =	simm.s32 $0x1BF5;
	[smem:$0x3FAE] =	sst s0  }
0x18: {  	s0 =	sld [smem:$0x3F91];
	_ =	swait.ge [sflag:s4], $0x0  }
0x19: {  	s7 =	sld [smem:$0x3F92]  }
0x1a: {  	s8 =	sadd.s32 $0xFFFFE003, lr  }
0x1b: {  	s9 =	sadd.s32 $0xFFFFFEF7, lr;
	s5 =	simm.s32 $0xFFFFFFFF;
	p2 =	slt.u32 s8, $0xFFFFF086  }
0x1c: {  	p1 =	slt.u32 s9, $0xF7A;
	s5 =	simm.s32 @!p2 $0x0  }
0x1d: {  	s5 =	simm.s32 @p1 $0x1;
	p0 =	seq.s32 s7, s2  }
0x1e: {  	s7 =	smul.u32 @!p0 $0xF7A, s2;
	p2 =	seq.s32 @!p0 s5, $0x0  }
0x1f: {  	s9 =	smul.u32 $0xF7A, s1;
	s8 =	simm.s32 @!p0 $0x1BF5;
	p2 =	por !p2, p0  }
0x20: {  	[sflag:s8] =	ssyncset.s32 @!p0 $0xFFFFF086;
	s6 =	sadd.s32 @!p0 s3, s7;
	s7 =	simm.s32 @!p0 $0x108  }
0x21: {  	s3 =	sadd.s32 s3, s9;
	s6 =	sadd.s32 @!p0 $0x88, s6;
	s7 =	simm.s32 @p2 $0x1082  }
0x22: {  	[simem:s7], [sflag:s8] =	dma.local @!p0 [hbm:s6], $0xF7A  }
0x23: {  	s9 =	sor.u32 $0xD0000000, s2;
	s6 =	simm.s32 $0x108;
	_ =	swait.ge @!p0 [sflag:s8], $0x0  }
0x24: {  	s3 =	sadd.s32 $0x88, s3;
	s6 =	simm.s32 @!p1 $0x1082;
	[sflag:s4] =	ssyncset.s32 $0xFFFFF086  }
0x25: {  	[simem:s6], [sflag:s4] =	dma.local [hbm:s3], $0xF7A  }
0x26: {  	[smem:$0x3F92] =	sst s1;
	(tag) =	ssettag s2;
	_ =	strace s9  }
0x27: {  	s1 =	sld [smem:$0x3FA2]  }
0x28: {  	s2 =	sld [smem:$0x3FA3]  }
0x29: {  	s4 =	sld [smem:$0x3FA5]  }
0x2a: {  	p0 =	seq.s32 s5, $0x0;
	s5 =	sld [smem:$0x3FA6]  }
0x2b: {  	s6 =	sld [smem:$0x3FA7]  }
0x2c: {  	s7 =	sld [smem:$0x3FA8]  }
0x2d: {  	s3 =	simm.s32 $0x108;
	s8 =	sld [smem:$0x3FA9]  }
0x2e: {  	s3 =	simm.s32 @!p0 $0x1082;
	s9 =	sld [smem:$0x3FAA]  }
0x2f: {  	lr =	sadd.s32 s0, s3;
	s0 =	sld [smem:$0x3FA1]  }
0x30: {  	s3 =	sld [smem:$0x3FA4]  }
0x31: {  	[smem:$0x3FAD] =	sst s10  }
0x32: {  	s10 =	sld [smem:$0x3FAB];
	_ =	sdelay $0x3  }
0x33: {  	p0 =	seq.s32 s10, $0x1;
	s10 =	sld [smem:$0x3FAD];
	_ =	sdelay $0x3  }
0x34: {  	[smem:$0x3FAD] =	sst s10  }
0x35: {  	s10 =	sld [smem:$0x3FAC];
	_ =	sdelay $0x3  }
0x36: {  	p1 =	seq.s32 s10, $0x1;
	s10 =	sld [smem:$0x3FAD];
	_ =	sdelay $0x3  }
0x37: {  	[smem:$0x3FAD] =	sst s10  }
0x38: {  	s10 =	sld [smem:$0x3FAE]  }
0x39: {  	_ = 	snop;
	(pc) =	sbr.ind lr, $3  }
0x3a: {  	_ = 	snop  }
0x3b: {  	_ = 	snop  }
0x3c: {  	p2 =	seq.s32 s10, $0x1;
	s10 =	sld [smem:$0x3FAD]  }
0x3d: {  	_ =	shalt  }
0x3e: {  	_ =	shalt  }
0x3f: {  	_ =	shalt  }
0x40: {  	_ =	shalt  }
0x41: {  	_ =	shalt  }
0x42: {  	_ =	shalt  }
0x43: {  	_ =	shalt  }
0x44: {  	_ =	shalt  }
0x45: {  	_ =	shalt  }
0x46: {  	_ =	shalt  }
0x47: {  	_ =	shalt  }
0x48: {  	_ =	shalt  }
0x49: {  	_ =	shalt  }
0x4a: {  	_ =	shalt  }
0x4b: {  	_ =	shalt  }
0x4c: {  	_ =	shalt  }
0x4d: {  	_ =	shalt  }
0x4e: {  	_ =	shalt  }
0x4f: {  	_ =	shalt  }
0x50: {  	_ =	shalt  }
0x51: {  	_ =	shalt  }
0x52: {  	_ =	shalt  }
0x53: {  	_ =	shalt  }
0x54: {  	_ =	shalt  }
0x55: {  	_ =	shalt  }
0x56: {  	_ =	shalt  }
0x57: {  	_ =	shalt  }
0x58: {  	_ =	shalt  }
0x59: {  	_ =	shalt  }
0x5a: {  	_ =	shalt  }
0x5b: {  	_ =	shalt  }
0x5c: {  	_ =	shalt  }
0x5d: {  	_ =	shalt  }
0x5e: {  	_ =	shalt  }
0x5f: {  	_ =	shalt  }
0x60: {  	_ =	shalt  }
0x61: {  	_ =	shalt  }
0x62: {  	_ =	shalt  }
0x63: {  	_ =	shalt  }
0x64: {  	_ =	shalt  }
0x65: {  	_ =	shalt  }
0x66: {  	_ =	shalt  }
0x67: {  	_ =	shalt  }
0x68: {  	_ =	shalt  }
0x69: {  	_ =	shalt  }
0x6a: {  	_ =	shalt  }
0x6b: {  	_ =	shalt  }
0x6c: {  	_ =	shalt  }
0x6d: {  	_ =	shalt  }
0x6e: {  	_ =	shalt  }
0x6f: {  	_ =	shalt  }
0x70: {  	_ =	shalt  }
0x71: {  	_ =	shalt  }
0x72: {  	_ =	shalt  }
0x73: {  	_ =	shalt  }
0x74: {  	_ =	shalt  }
0x75: {  	_ =	shalt  }
0x76: {  	_ =	shalt  }
0x77: {  	_ =	shalt  }
0x78: {  	_ =	shalt  }
0x79: {  	_ =	shalt  }
0x7a: {  	_ =	shalt  }
0x7b: {  	_ =	shalt  }
0x7c: {  	_ =	shalt  }
0x7d: {  	_ =	shalt  }
0x7e: {  	_ =	shalt  }
0x7f: {  	_ =	shalt  }
0x80: {  	_ =	shalt  }
0x81: {  	_ =	shalt  }
0x82: {  	_ =	shalt  }
0x83: {  	_ =	shalt  }
0x84: {  	_ =	shalt  }
0x85: {  	_ =	shalt  }
0x86: {  	_ =	shalt  }
0x87: {  	_ =	shalt  }
.Lfunc_end0:
.L_simem_size_0:
called_computation_lowered:
.L_overlay_start_0:
0x88: {  	s2 =	sld [smem:$0x3FD9]  }
0x89: {  	s3 =	sld [smem:$0x3FFE];
	_ =	sdelay $0x1  }
0x8a: {  	s1 =	srdreg.scid  }
0x8b: {  	s0 =	sand.u32 $0x1, s1  }
0x8c: {  	s17 =	sshll.u32 s0, $0xA;
	s2 =	sadd.s32 s3, s2  }
0x8d: {  	s2 =	sadd.s32 s2, s17  }
0x8e: {  	[smem:$0x3FB9] =	sst s2  }
0x8f: {  	_ = 	snop  }
0x90: {  	s2 =	sld [smem:$0x3FC9]  }
0x91: {  	s18 =	sld [smem:$0x3FC8];
	(tm) =	ssettm $0x1  }
0x92: {  	s4 =	sld [smem:$0x3FFB];
	_ =	sdelay $0x3  }
0x93: {  	_ =	strace s4  }
0x94: {  	s4 =	sld [smem:$0x3FFC];
	_ =	sdelay $0x3  }
0x95: {  	_ =	strace s4  }
0x96: {  	s4 =	sld [smem:$0x3FFD];
	_ =	sdelay $0x3  }
0x97: {  	_ =	strace s4  }
0x98: {  	_ =	strace $0x8FFFFFFF  }
0x99: {  	s19 =	sld [smem:$0x3FDB];
	_ =	sdelay $0x1  }
0x9a: {  	s5 =	simm.s32 $_scs_section_size  }
0x9b: {  	s6 =	simm.s32 $_size__tile_overlayer_lowered;
	s7 =	simm.s32 $_tile_overlayer_lowered  }
0x9c: {  	s22 =	simm.s32 $0x1BFF;
	s21 =	sshll.u32 s7, $0x1;
	s4 =	sadd.s32 s5, s19  }
0x9d: {  	s8 =	simm.s32 $0x0;
	s20 =	sshll.u32 s6, $0x1;
	s6 =	sadd.s32 s21, s4  }
0x9e: {  	[timem:s8], [sflag:s22] =	dma.local [hbm:s6], s20  }
0x9f: {  	_ =	swait.ge [sflag:s22], s20  }
0xa0: {  	s5 =	ssub.s32 $0x0, s20;
	[sflag:s22] =	ssyncset.done $0x0  }
0xa1: {  	[sflag:s22] =	ssyncadd.s32 s5;
	_ =	sdelay $0x1  }
0xa2: {  	s23 =	simm.s32 $0x1B8B  }
0xa3: {  	_ =	swait.ge [sflag:s23], $0x1  }
0xa4: {  	[sflag:s23] =	ssyncset.done $0x0  }
0xa5: {  	s25 =	simm.s32 $0x1B8E;
	s24 =	sld [smem:$0x3FFE];
	[sflag:s23] =	ssyncadd.s32 $0xFFFFFFFF  }
0xa6: {  	s26 =	simm.s32 $execute0_lowered;
	[smem:$0x3FD2] =	sst s25  }
0xa7: {  	s6 =	sshll.u32 s26, $0x1;
	_ =	strace $0x80000046;
	[dreg:$0x1] =	wrdreg $0xFFFFFFFF  }
0xa8: {  	s28 =	simm.s32 $_size_execute0_lowered;
	s4 =	sadd.s32 s4, s6;
	[dreg:$0x0] =	wrdreg $0x0  }
0xa9: {  	s6 =	sshll.u32 s28, $0x1;
	[dreg:$0x2] =	wrdreg s4  }
0xaa: {  	[dreg:$0x3] =	wrdreg s6  }
0xab: {  	[dreg:$0x4] =	wrdreg $0xC0  }
0xac: {  	_ =	task [dreg:s8], $0x5FFFF  }
0xad: {  	[dreg:$0x1] =	wrdreg $0xFFFFFFFF  }
0xae: {  	[dreg:$0x0] =	wrdreg $0x60  }
0xaf: {  	[dreg:$0x2] =	wrdreg s2  }
0xb0: {  	[dreg:$0x3] =	wrdreg s18  }
0xb1: {  	[dreg:$0x4] =	wrdreg s24  }
0xb2: {  	[dreg:$0x5] =	wrdreg $0x84000  }
0xb3: {  	[dreg:$0x6] =	wrdreg $0x9  }
0xb4: {  	_ =	task.clear_ibuf [dreg:s8], $0x7FFFF;
	_ =	strace $0x90000046  }
0xb5: {  	s29 =	simm.s32 $0x9;
	_ =	strace $0x80000048  }
0xb6: {  	_ =	swait.ge [sflag:s29], $0x1  }
0xb7: {  	[sflag:s29] =	ssyncadd.s32 $0xFFFFFFFF  }
0xb8: {  	_ =	strace $0x90000048  }
0xb9: {  	_ =	sfence  }
0xba: {  	s30 =	sld [smem:$0x0];
	_ =	sdelay $0x2  }
0xbb: {  	s31 =	sshll.u32 s1, $0xD;
	s1 =	sshrl.u32 s1, $0x2  }
0xbc: {  	s3 =	sand.u32 $0x4000, s31;
	s1 =	sadd.s32 s1, s30  }
0xbd: {  	s0 =	sor.u32 s3, s0;
	s1 =	sshll.u32 s1, $0x11  }
0xbe: {  	s0 =	sor.u32 s1, s0  }
0xbf: {  	s0 =	sadd.s32 $0x8F2B, s0  }
0xc0: {  	[sflag:s0] =	ssyncadd.remote.s32 $0x1  }
0xc1: {  	_ =	sfence.sel $0xFFFF  }
0xc2: {  	[dreg:$0x0] =	wrdreg $0xFFFFFFFF;
	(pc) =	sbr.abs _section_cstart, $3  }
0xc3: {  	[dreg:$0x1] =	wrdreg $0xFFFFFFFF  }
0xc4: {  	_ =	task.clear_ibuf [dreg:s8], $0x2FFFF;
	_ =	strace $0x9FFFFFFF  }
0xc5: {  	(tm) =	ssettm $0x7FFFFFFF  }
tec
execute0_lowered:
.L_overlay_start_1:
0x0: {  	(tag) =	ssettag $0x1  }
0x1: {  	s1 =	rddreg [dreg:$0x0]  }
0x2: {  	s0 =	rddreg [dreg:$0x1]  }
0x3: {  	s2 =	rddreg [dreg:$0x2]  }
0x4: {  	s3 =	rddreg [dreg:$0x3];
	s4 =	srdreg.scid;
	s5 =	simm.s32 $0x0  }
0x5: {  	s8 =	stileid.u32;
	s28 =	simm.s32 $0x200;
	s29 =	simm.s32 $0x80  }
0x6: {  	s30 =	simm.s32 $0x280;
	s31 =	simm.s32 $0x380;
	s6 =	smul.u32 $0x50, s8  }
0x7: {  	s4 =	sand.u32 $0x1, s4;
	[smem:$0x7FF] =	sst s5;
	s12 =	smul.u32 $0x280, s8  }
0x8: {  	s8 =	smul.u32 $0x50000, s8;
	s2 =	sadd.s32 $0x2000, s2;
	s22 =	ssub.s32 $0x0, s4  }
0x9: {  	_ =	strace $0x80000047;
	s7 =	ssub.s32 $0x2, s4;
	s4 =	smul.u32 $0x2800, s4  }
0xa: {  	s5 =	sand.u32 $0x500, s22;
	s23 =	sshrl.u32 s7, $0x1;
	s24 =	sshrl.u32 s8, $0x2  }
0xb: {  	s14 =	sadd.s32 $0x80, s12;
	s15 =	sadd.s32 $0x100, s12;
	s16 =	sadd.s32 $0x180, s12  }
0xc: {  	s17 =	sadd.s32 $0x200, s12;
	s9 =	sadd.s32 s6, s5;
	s13 =	ssub.s32 s7, s23  }
0xd: {  	s25 =	sshll.u32 s14, $0x7;
	s26 =	sshll.u32 s15, $0x7;
	s10 =	sshll.u32 s16, $0x7  }
0xe: {  	s18 =	sshll.u32 s17, $0x7;
	s6 =	ssub.s32 $0x9C4, s9;
	s7 =	sadd.s32 s25, s3  }
0xf: {  	s11 =	sshll.u32 s9, $0x5;
	s10 =	sadd.s32 s10, s3;
	s5 =	smin.u32 s6, $0x50  }
0x10: {  	[dreg:$0xa] =	wrdreg s10;
	s10 =	sadd.s32 s0, s11;
	s11 =	sadd.s32 s18, s3  }
0x11: {  	s6 =	sadd.s32 s24, s3;
	[dreg:$0xb] =	wrdreg s11;
	s18 =	sadd.s32 $0x10, s10  }
0x12: {  	s24 =	sadd.s32 s26, s3;
	s19 =	sadd.s32 $0x20, s10;
	[dreg:$0xc] =	wrdreg s18  }
0x13: {  	s26 =	sadd.s32 s12, s4;
	s20 =	sadd.s32 $0x30, s10;
	[dreg:$0xd] =	wrdreg s19  }
0x14: {  	s21 =	sadd.s32 $0xFFFFFFFE, s5;
	s22 =	sadd.s32 $0x40, s10;
	[dreg:$0xe] =	wrdreg s20  }
0x15: {  	s23 =	sadd.s32 $0xFFFFFFFD, s5;
	s25 =	sadd.s32 $0x50, s10;
	[dreg:$0xf] =	wrdreg s22  }
0x16: {  	s9 =	sadd.s32 $0x60, s10;
	s0 =	sshll.u32 s26, $0x4;
	[dreg:$0x5] =	wrdreg s21  }
0x17: {  	s11 =	sadd.s32 s4, s14;
	s14 =	sadd.s32 s4, s15;
	[dreg:$0x10] =	wrdreg s25  }
0x18: {  	s26 =	smax.u32 s13, $0x1;
	s13 =	simm.s32 $0x9;
	[dreg:$0x6] =	wrdreg s23  }
0x19: {  	[dreg:$0x11] =	wrdreg s9;
	s0 =	sadd.s32 s2, s0;
	s12 =	sshll.u32 s11, $0x4  }
0x1a: {  	s15 =	sshll.u32 s14, $0x4;
	s18 =	sadd.s32 s4, s16;
	s4 =	sadd.s32 s4, s17  }
0x1b: {  	s21 =	sshll.u32 s5, $0x5;
	s22 =	sadd.s32 $0x80, s10;
	[dreg:$0x18] =	wrdreg s26  }
0x1c: {  	s23 =	sadd.s32 $0x70, s10;
	s25 =	sadd.s32 $0xC0, s10;
	[dreg:$0x12] =	wrdreg s0  }
0x1d: {  	s26 =	simm.s32 $0xB;
	s14 =	simm.s32 $0x5;
	[dreg:$0x7] =	wrdreg s21  }
0x1e: {  	s16 =	simm.s32 $0x6;
	s17 =	simm.s32 $0x7;
	[dreg:$0x17] =	wrdreg s23  }
0x1f: {  	s0 =	sadd.s32 s2, s12;
	s19 =	sshll.u32 s18, $0x4;
	[dreg:$0x8] =	wrdreg s22  }
0x20: {  	s20 =	sshll.u32 s4, $0x4;
	[dreg:$0x9] =	wrdreg s25;
	s25 =	simm.s32 $0x400  }
0x21: {  	s12 =	simm.s32 $0x4400;
	[dreg:$0x13] =	wrdreg s0;
	s0 =	sadd.s32 s2, s15  }
0x22: {  	s18 =	simm.s32 $0x8;
	[dreg:$0x14] =	wrdreg s0;
	s0 =	sadd.s32 s2, s19  }
0x23: {  	s15 =	simm.s32 $0xA;
	[dreg:$0x15] =	wrdreg s0;
	s0 =	sadd.s32 s2, s20  }
0x24: {  	v0 =	vimm.f32 $0.0e+00;
	s19 =	simm.s32 $0x0;
	[dreg:$0x16] =	wrdreg s0;
	s0 =	simm.s32 $0x300  }
.LBB2_1:
0x25: {  	s2 =	simm.s32 $0x0  }
0x26: {  	s20 =	sand.u32 $0xFE00, s2  }
0x27: {  	s21 =	sand.u32 $0x70, s2;
	s22 =	sshrl.u32 s20, $0x2  }
0x28: {  	s20 =	simm.s32 $0x40;
	s22 =	sor.u32 s21, s22;
	s21 =	simm.s32 $0x0  }
.LBB2_2:
0x29: {  	p0 =	sne.s32 s20, $0xFFC0  }
0x2a: {  	[tilespmem:s22+$0x400] =	vst v0;
	s21 =	sadd.s32 $0x10, s21;
	s22 =	smov.u32 s20;
	s20 =	sadd.s32 $0x40, s20  }
.Ltmp0:
0x2b: {  	(pc) =	sbr.rel @p0 .LBB2_2-.Ltmp0, $4  }
0x2c: {  	_ = 	snop  }
0x2d: {  	s22 =	sand.u32 $0xFE00, s22  }
0x2e: {  	s23 =	sand.u32 $0x70, s21;
	s22 =	sshrl.u32 s22, $0x2  }
0x2f: {  	s22 =	sor.u32 s23, s22  }
0x30: {  	[tilespmem:s22+$0x400] =	vst v0  }
0x31: {  	[spmem:s6] =	stream.linear.scatter [tilespmem:s25], [sflag:$0xB], $0x4000, $0x38;
	[tilespmem:$0x1C400] =	vst v63  }
0x32: {  	_ =	swait.ge [sflag:s26], $0x4000  }
0x33: {  	[sflag:s26] =	ssyncset.done $0x0  }
0x34: {  	[sflag:s26] =	ssyncadd.s32 $0xFFFFC000  }
0x35: {  	[spmem:s7] =	stream.linear.scatter [tilespmem:s25], [sflag:$0xB], $0x4000, $0x38;
	[tilespmem:$0x1C400] =	vst v63  }
0x36: {  	_ =	swait.ge [sflag:s26], $0x4000  }
0x37: {  	[sflag:s26] =	ssyncset.done $0x0  }
0x38: {  	[sflag:s26] =	ssyncadd.s32 $0xFFFFC000  }
0x39: {  	[spmem:s24] =	stream.linear.scatter [tilespmem:s25], [sflag:$0xB], $0x4000, $0x38;
	[tilespmem:$0x1C400] =	vst v63  }
0x3a: {  	_ =	swait.ge [sflag:s26], $0x4000  }
0x3b: {  	[sflag:s26] =	ssyncset.done $0x0  }
0x3c: {  	s2 =	rddreg [dreg:$0xa];
	[sflag:s26] =	ssyncadd.s32 $0xFFFFC000  }
0x3d: {  	[spmem:s2] =	stream.linear.scatter [tilespmem:s25], [sflag:$0xB], $0x4000, $0x38;
	[tilespmem:$0x1C400] =	vst v63  }
0x3e: {  	_ =	swait.ge [sflag:s26], $0x4000  }
0x3f: {  	[sflag:s26] =	ssyncset.done $0x0  }
0x40: {  	s9 =	smov.u32 s7;
	s7 =	rddreg [dreg:$0xb];
	[sflag:s26] =	ssyncadd.s32 $0xFFFFC000  }
0x41: {  	[spmem:s7] =	stream.linear.scatter [tilespmem:s25], [sflag:$0xB], $0x4000, $0x38;
	[tilespmem:$0x1C400] =	vst v63  }
0x42: {  	_ =	swait.ge [sflag:s26], $0x4000  }
0x43: {  	[sflag:s26] =	ssyncset.done $0x0  }
0x44: {  	[sflag:s26] =	ssyncadd.s32 $0xFFFFC000  }
0x45: {  	s21 =	simm.s32 $0x0;
	[bflag:$0x0] =	sbarrier.arrive $0xFFFF  }
0x46: {  	[tilespmem:s21], [sflag:$0x1] =	stream.linear.gather [hbm4b:s10+s21], $0x80, $0x38;
	[tilespmem:$0x1C400] =	vst v63  }
0x47: {  	s20 =	rddreg [dreg:$0xc]  }
0x48: {  	[tilespmem:s28], [sflag:$0x5] =	stream.linear.gather [hbm4b:s20+s21], $0x80, $0x38;
	[tilespmem:$0x1C400] =	vst v63  }
0x49: {  	s22 =	rddreg [dreg:$0xd]  }
0x4a: {  	[tilespmem:s29], [sflag:$0x2] =	stream.linear.gather [hbm4b:s22+s21], $0x80, $0x38;
	[tilespmem:$0x1C400] =	vst v63  }
0x4b: {  	s23 =	rddreg [dreg:$0xe]  }
0x4c: {  	[tilespmem:s30], [sflag:$0x6] =	stream.linear.gather [hbm4b:s23+s21], $0x80, $0x38;
	[tilespmem:$0x1C400] =	vst v63  }
0x4d: {  	s11 =	smov.u32 s24;
	s4 =	simm.s32 $0x100;
	s24 =	rddreg [dreg:$0xf]  }
0x4e: {  	[tilespmem:s4], [sflag:$0x3] =	stream.linear.gather [hbm4b:s24+s21], $0x80, $0x38;
	[tilespmem:$0x1C400] =	vst v63  }
0x4f: {  	s8 =	smov.u32 s6;
	s6 =	rddreg [dreg:$0x10]  }
0x50: {  	[tilespmem:s0], [sflag:$0x7] =	stream.linear.gather [hbm4b:s6+s21], $0x80, $0x38;
	[tilespmem:$0x1C400] =	vst v63  }
0x51: {  	s7 =	rddreg [dreg:$0x11];
	s20 =	simm.s32 $0x180  }
0x52: {  	[tilespmem:s20], [sflag:$0x4] =	stream.linear.gather [hbm4b:s7+s21], $0x80, $0x38;
	[tilespmem:$0x1C400] =	vst v63  }
0x53: {  	s22 =	rddreg [dreg:$0x17];
	s23 =	simm.s32 $0x1  }
0x54: {  	[tilespmem:s31], [sflag:$0x8] =	stream.linear.gather [hbm4b:s22+s21], $0x80, $0x38;
	[tilespmem:$0x1C400] =	vst v63  }
0x55: {  	_ =	swait.ge [sflag:s23], $0x80  }
0x56: {  	[sflag:s23] =	ssyncset.done $0x0  }
0x57: {  	s24 =	simm.s32 $0x2;
	[sflag:s23] =	ssyncadd.s32 $0xFFFFFF80  }
0x58: {  	[tilespmem:s25], [sflag:$0x9] =	stream.indirect.gather [hbm4b:s1+s29], $0x80, s21, s29, $0xb8;
	[tilespmem:$0x1C400] =	vst v63  }
0x59: {  	_ =	swait.ge [sflag:s24], $0x80  }
0x5a: {  	[sflag:s24] =	ssyncset.done $0x0  }
0x5b: {  	s20 =	simm.s32 $0x0;
	[sflag:s24] =	ssyncadd.s32 $0xFFFFFF80  }
0x5c: {  	[tilespmem:s12], [sflag:$0xA] =	stream.indirect.gather [hbm4b:s1+s29], $0x80, s29, s29, $0xb8;
	[tilespmem:$0x1C400] =	vst v63  }
.LBB2_4:
0x5d: {  	_ =	swait.ge [sflag:s13], $0x4000  }
0x5e: {  	[sflag:s13] =	ssyncset.done $0x0  }
0x5f: {  	[sflag:s13] =	ssyncadd.s32 $0xFFFFC000  }
0x60: {  	_ =	swait.ge [sflag:s14], $0x80  }
0x61: {  	[sflag:s14] =	ssyncset.done $0x0  }
0x62: {  	[sflag:s14] =	ssyncadd.s32 $0xFFFFFF80  }
0x63: {  	[spmem:s3] =	stream.indirect.scatter.add.f32 [tilespmem:s25], [sflag:$0xB], $0x80, s28, s29, $0xb8;
	[tilespmem:$0x1C400] =	vst v63  }
0x64: {  	_ =	swait.ge [sflag:s26], $0x4000  }
0x65: {  	s22 =	sadd.s32 $0x4, s21;
	s23 =	rddreg [dreg:$0x8];
	[sflag:s26] =	ssyncset.done $0x0  }
0x66: {  	p0 =	sge.u32 s22, s5;
	s2 =	rddreg [dreg:$0x5];
	[sflag:s26] =	ssyncadd.s32 $0xFFFFC000  }
0x67: {  	s24 =	sadd.s32 @!p0 s20, s23;
	s23 =	simm.s32 @!p0 $0x0;
	p1 =	sge.u32 s21, s2  }
0x68: {  	[tilespmem:s23], [sflag:$0x1] =	stream.linear.gather @!p0 [hbm4b:s24+s23], $0x80, $0x38;
	[tilespmem:$0x1C400] =	vst v63  }
0x69: {  	s4 =	simm.s32 @!p0 $0x200;
	s24 =	sadd.s32 @!p0 $0x10, s24;
	s2 =	simm.s32 @!p1 $0x3  }
0x6a: {  	[tilespmem:s4], [sflag:$0x5] =	stream.linear.gather @!p0 [hbm4b:s24+s23], $0x80, $0x38;
	[tilespmem:$0x1C400] =	vst v63  }
0x6b: {  	_ =	swait.ge @!p1 [sflag:s2], $0x80  }
0x6c: {  	s4 =	simm.s32 @!p1 $0x100;
	[sflag:s2] =	ssyncset.done @!p1 $0x0  }
0x6d: {  	s24 =	simm.s32 @!p1 $0x400;
	[sflag:s2] =	ssyncadd.s32 @!p1 $0xFFFFFF80;
	s2 =	simm.s32 @!p1 $0x80  }
0x6e: {  	[tilespmem:s24], [sflag:$0x9] =	stream.indirect.gather @!p1 [hbm4b:s1+s2], $0x80, s4, s2, $0xb8;
	[tilespmem:$0x1C400] =	vst v63  }
0x6f: {  	_ =	swait.ge [sflag:s15], $0x4000  }
0x70: {  	[sflag:s15] =	ssyncset.done $0x0  }
0x71: {  	[sflag:s15] =	ssyncadd.s32 $0xFFFFC000  }
0x72: {  	_ =	swait.ge [sflag:s16], $0x80  }
0x73: {  	[sflag:s16] =	ssyncset.done $0x0  }
0x74: {  	s6 =	sadd.s32 $0x5, s21;
	[sflag:s16] =	ssyncadd.s32 $0xFFFFFF80  }
0x75: {  	[spmem:s3] =	stream.indirect.scatter.add.f32 [tilespmem:s12], [sflag:$0xB], $0x80, s30, s29, $0xb8;
	[tilespmem:$0x1C400] =	vst v63  }
0x76: {  	p1 =	sge.u32 s6, s5;
	_ =	swait.ge [sflag:s26], $0x4000  }
0x77: {  	s2 =	sadd.s32 @!p1 s20, s10;
	s6 =	simm.s32 @!p1 $0x0;
	[sflag:s26] =	ssyncset.done $0x0  }
0x78: {  	s24 =	simm.s32 @!p1 $0x80;
	s4 =	sadd.s32 @!p1 $0xA0, s2;
	[sflag:s26] =	ssyncadd.s32 $0xFFFFC000  }
0x79: {  	[tilespmem:s24], [sflag:$0x2] =	stream.linear.gather @!p1 [hbm4b:s4+s6], $0x80, $0x38;
	[tilespmem:$0x1C400] =	vst v63  }
0x7a: {  	s4 =	rddreg [dreg:$0x6]  }
0x7b: {  	s7 =	simm.s32 @!p1 $0x280;
	s2 =	sadd.s32 @!p1 $0xB0, s2;
	p2 =	sge.u32 s21, s4  }
0x7c: {  	[tilespmem:s7], [sflag:$0x6] =	stream.linear.gather @!p1 [hbm4b:s2+s6], $0x80, $0x38;
	[tilespmem:$0x1C400] =	vst v63  }
0x7d: {  	s2 =	simm.s32 @!p2 $0x4  }
0x7e: {  	_ =	swait.ge @!p2 [sflag:s2], $0x80  }
0x7f: {  	s4 =	simm.s32 @!p2 $0x180;
	[sflag:s2] =	ssyncset.done @!p2 $0x0  }
0x80: {  	s6 =	simm.s32 @!p2 $0x4400;
	[sflag:s2] =	ssyncadd.s32 @!p2 $0xFFFFFF80;
	s2 =	simm.s32 @!p2 $0x80  }
0x81: {  	[tilespmem:s6], [sflag:$0xA] =	stream.indirect.gather @!p2 [hbm4b:s1+s2], $0x80, s4, s2, $0xb8;
	[tilespmem:$0x1C400] =	vst v63  }
0x82: {  	_ =	swait.ge [sflag:s13], $0x4000  }
0x83: {  	[sflag:s13] =	ssyncset.done $0x0  }
0x84: {  	[sflag:s13] =	ssyncadd.s32 $0xFFFFC000  }
0x85: {  	_ =	swait.ge [sflag:s17], $0x80  }
0x86: {  	[sflag:s17] =	ssyncset.done $0x0  }
0x87: {  	s7 =	sadd.s32 $0x6, s21;
	[sflag:s17] =	ssyncadd.s32 $0xFFFFFF80  }
0x88: {  	[spmem:s3] =	stream.indirect.scatter.add.f32 [tilespmem:s25], [sflag:$0xB], $0x80, s0, s29, $0xb8;
	[tilespmem:$0x1C400] =	vst v63  }
0x89: {  	p2 =	sge.u32 s7, s5;
	_ =	swait.ge [sflag:s26], $0x4000  }
0x8a: {  	s4 =	simm.s32 @!p2 $0x0;
	s2 =	rddreg [dreg:$0x9];
	[sflag:s26] =	ssyncset.done $0x0  }
0x8b: {  	s6 =	simm.s32 @!p2 $0x100;
	[sflag:s26] =	ssyncadd.s32 $0xFFFFC000;
	s2 =	sadd.s32 @!p2 s20, s2  }
0x8c: {  	[tilespmem:s6], [sflag:$0x3] =	stream.linear.gather @!p2 [hbm4b:s2+s4], $0x80, $0x38;
	[tilespmem:$0x1C400] =	vst v63  }
0x8d: {  	s2 =	sadd.s32 @!p2 $0x10, s2;
	s6 =	simm.s32 @!p2 $0x300  }
0x8e: {  	[tilespmem:s6], [sflag:$0x7] =	stream.linear.gather @!p2 [hbm4b:s2+s4], $0x80, $0x38;
	[tilespmem:$0x1C400] =	vst v63  }
0x8f: {  	s2 =	simm.s32 @!p0 $0x1  }
0x90: {  	_ =	swait.ge @!p0 [sflag:s2], $0x80  }
0x91: {  	[sflag:s2] =	ssyncset.done @!p0 $0x0  }
0x92: {  	s4 =	simm.s32 @!p0 $0x400;
	[sflag:s2] =	ssyncadd.s32 @!p0 $0xFFFFFF80;
	s2 =	simm.s32 @!p0 $0x80  }
0x93: {  	[tilespmem:s4], [sflag:$0x9] =	stream.indirect.gather @!p0 [hbm4b:s1+s2], $0x80, s23, s2, $0xb8;
	[tilespmem:$0x1C400] =	vst v63  }
0x94: {  	_ =	swait.ge [sflag:s15], $0x4000  }
0x95: {  	[sflag:s15] =	ssyncset.done $0x0  }
0x96: {  	[sflag:s15] =	ssyncadd.s32 $0xFFFFC000  }
0x97: {  	_ =	swait.ge [sflag:s18], $0x80  }
0x98: {  	[sflag:s18] =	ssyncset.done $0x0  }
0x99: {  	s21 =	sadd.s32 $0x7, s21;
	[sflag:s18] =	ssyncadd.s32 $0xFFFFFF80  }
0x9a: {  	[spmem:s3] =	stream.indirect.scatter.add.f32 [tilespmem:s12], [sflag:$0xB], $0x80, s31, s29, $0xb8;
	[tilespmem:$0x1C400] =	vst v63  }
0x9b: {  	p0 =	sge.u32 s21, s5;
	_ =	swait.ge [sflag:s26], $0x4000  }
0x9c: {  	s2 =	sadd.s32 @!p0 s20, s10;
	s6 =	simm.s32 @!p0 $0x0;
	[sflag:s26] =	ssyncset.done $0x0  }
0x9d: {  	s7 =	simm.s32 @!p0 $0x180;
	s4 =	sadd.s32 @!p0 $0xE0, s2;
	[sflag:s26] =	ssyncadd.s32 $0xFFFFC000  }
0x9e: {  	[tilespmem:s7], [sflag:$0x4] =	stream.linear.gather @!p0 [hbm4b:s4+s6], $0x80, $0x38;
	[tilespmem:$0x1C400] =	vst v63  }
0x9f: {  	s2 =	sadd.s32 @!p0 $0xF0, s2;
	s4 =	simm.s32 @!p0 $0x380  }
0xa0: {  	[tilespmem:s4], [sflag:$0x8] =	stream.linear.gather @!p0 [hbm4b:s2+s6], $0x80, $0x38;
	[tilespmem:$0x1C400] =	vst v63  }
0xa1: {  	s2 =	simm.s32 @!p1 $0x2  }
0xa2: {  	_ =	swait.ge @!p1 [sflag:s2], $0x80  }
0xa3: {  	s20 =	sadd.s32 $0x80, s20;
	s23 =	rddreg [dreg:$0x7]  }
0xa4: {  	p0 =	sne.s32 s23, s20  }
.Ltmp1:
0xa5: {  	_ = 	snop;
	(pc) =	sbr.rel @p0 .LBB2_4-.Ltmp1, $4  }
0xa6: {  	_ = 	snop  }
0xa7: {  	[sflag:s2] =	ssyncset.done @!p1 $0x0  }
0xa8: {  	s21 =	smov.u32 s22;
	[sflag:s2] =	ssyncadd.s32 @!p1 $0xFFFFFF80;
	s2 =	simm.s32 @!p1 $0x4400  }
0xa9: {  	[tilespmem:s2], [sflag:$0xA] =	stream.indirect.gather @!p1 [hbm4b:s1+s24], $0x80, s24, s24, $0xb8;
	[tilespmem:$0x1C400] =	vst v63  }
0xaa: {  	s2 =	stileid.u32  }
0xab: {  	[bflag:$0x0] =	sbarrier.arrive $0xFFFF;
	s2 =	sshll.u32 s2, $0x6  }
0xac: {  	s4 =	sshrl.u32 s8, $0x3;
	s7 =	rddreg [dreg:$0x12];
	s2 =	sor.u32 $0x1C0B, s2  }
0xad: {  	[hbm:s7], [sflag:s2] =	dma.local [spmem:s4], $0x800  }
0xae: {  	_ =	swait.ge [sflag:s26], $0x800  }
0xaf: {  	[sflag:s26] =	ssyncset.done $0x0  }
0xb0: {  	s23 =	sshrl.u32 s9, $0x3;
	s24 =	rddreg [dreg:$0x13];
	[sflag:s26] =	ssyncadd.s32 $0xFFFFF800  }
0xb1: {  	[hbm:s24], [sflag:s2] =	dma.local [spmem:s23], $0x800  }
0xb2: {  	_ =	swait.ge [sflag:s26], $0x800  }
0xb3: {  	s6 =	smov.u32 s8;
	s8 =	sshrl.u32 s11, $0x3;
	[sflag:s26] =	ssyncset.done $0x0  }
0xb4: {  	s7 =	smov.u32 s9;
	s9 =	rddreg [dreg:$0x14];
	[sflag:s26] =	ssyncadd.s32 $0xFFFFF800  }
0xb5: {  	[hbm:s9], [sflag:s2] =	dma.local [spmem:s8], $0x800  }
0xb6: {  	_ =	swait.ge [sflag:s26], $0x800  }
0xb7: {  	s24 =	smov.u32 s11;
	[sflag:s26] =	ssyncset.done $0x0;
	s11 =	rddreg [dreg:$0xa]  }
0xb8: {  	s20 =	rddreg [dreg:$0x15];
	[sflag:s26] =	ssyncadd.s32 $0xFFFFF800;
	s4 =	sshrl.u32 s11, $0x3  }
0xb9: {  	[hbm:s20], [sflag:s2] =	dma.local [spmem:s4], $0x800  }
0xba: {  	_ =	swait.ge [sflag:s26], $0x800  }
0xbb: {  	[sflag:s26] =	ssyncset.done $0x0;
	s21 =	rddreg [dreg:$0xb]  }
0xbc: {  	s22 =	rddreg [dreg:$0x16];
	[sflag:s26] =	ssyncadd.s32 $0xFFFFF800;
	s4 =	sshrl.u32 s21, $0x3  }
0xbd: {  	[hbm:s22], [sflag:s2] =	dma.local [spmem:s4], $0x800  }
0xbe: {  	_ =	swait.ge [sflag:s26], $0x800  }
0xbf: {  	s19 =	sadd.s32 $0x1, s19;
	s23 =	rddreg [dreg:$0x18]  }
0xc0: {  	p0 =	sne.s32 s19, s23  }
.Ltmp2:
0xc1: {  	_ = 	snop;
	(pc) =	sbr.rel @p0 .LBB2_1-.Ltmp2, $3  }
0xc2: {  	_ =	sdelay $0x1  }
0xc3: {  	[sflag:s26] =	ssyncset.done $0x0  }
0xc4: {  	[sflag:s26] =	ssyncadd.s32 $0xFFFFF800  }
0xc5: {  	_ =	sfence.sel $0x180000  }
0xc6: {  	[bflag:$0x0] =	sbarrier.arrive $0xFFFF  }
0xc7: {  	_ =	strace $0x90000047  }
0xc8: {  	s0 =	stileid.u32;
	[bflag:$0x2] =	sbarrier.arrive $0xFFFF  }
0xc9: {  	p0 =	sne.s32 s0, $0x0;
	s0 =	rddreg [dreg:$0x4]  }
0xca: {  	s0 =	sadd.s32 @!p0 $0x100000, s0  }
0xcb: {  	[sflag:s0] =	ssyncadd.tile.s32 @!p0 $0x1;
	_ =	shalt  }
.Lfunc_end2:
_tile_overlayer_lowered:
.L_overlay_start_2:
0xcc: {  	(tag) =	ssettag $0x2  }
0xcd: {  	s0 =	rddreg [dreg:$0x0];
	s2 =	stileid.u32  }
0xce: {  	s1 =	rddreg [dreg:$0x1];
	p0 =	sne.s32 s2, $0x0  }
0xcf: {  	s3 =	rddreg [dreg:$0x2];
	[bflag:$0x3] =	sbarrier.arrive $0xFFFF;
	s2 =	simm.s32 @!p0 $0x1C0B  }
0xd0: {  	[timem:s3], [sflag:s2] =	dma.local @!p0 [hbm:s0], s1  }
0xd1: {  	s0 =	simm.s32 @!p0 $0xB  }
0xd2: {  	_ =	swait.ge @!p0 [sflag:s0], s1  }
0xd3: {  	s1 =	ssub.s32 @!p0 $0x0, s1;
	[sflag:s0] =	ssyncset.done @!p0 $0x0  }
0xd4: {  	[sflag:s0] =	ssyncadd.s32 @!p0 s1  }
0xd5: {  	[bflag:$0x3] =	sbarrier.arrive $0xFFFF  }
0xd6: {  	_ =	shalt  }

</sc_bundles>
